<compile_context>
chip_gen: v7x
topology: tpu7x:2x2x1
jax: 0.10.2.dev20260603
libtpu: 0.0.44.dev20260713+nightly
codegen_flags: <defaults>
</compile_context>

<pallas_src>
import functools

import jax
import jax.numpy as jnp
from jax import lax
from jax.experimental import pallas as pl
from jax.experimental.pallas import tpu as pltpu
from jax.experimental.pallas import tpu_sc as plsc

N_NODES = 10000
N_EDGES = 320000
DIM = 128
NUM_CLASSES = 10
EPS = 1e-15

_ROWS_PER_BLK = 1000
_N_BLKS = N_NODES // _ROWS_PER_BLK

_CHUNK = 128
_K = 1
_SUPER = _K * _CHUNK
_N_CHUNKS = N_EDGES // _CHUNK
_NW = 32
_FULL = _N_CHUNKS // _NW
_EXTRA = _N_CHUNKS - _FULL * _NW
_NSUP = _FULL // _K
_NTRIP = _NSUP // 3
_STRIPE = 624
_STRIPE_EXTRA = 8


def _logmap0(x):
    sq = jnp.sum(x * x, axis=-1, keepdims=True)
    norm = jnp.maximum(jnp.sqrt(sq), EPS)
    arg = jnp.clip(norm, 0.0, 1.0 - 1e-6)
    att = 0.5 * jnp.log((1.0 + arg) / (1.0 - arg))
    return x * (att / norm)


def _expmap0(u):
    sq = jnp.sum(u * u, axis=-1, keepdims=True)
    norm = jnp.maximum(jnp.sqrt(sq), EPS)
    return jnp.tanh(norm) * u / norm


def _logmap0_scale_t(xt):
    sq = jnp.sum(xt * xt, axis=0, keepdims=True)
    inv = lax.rsqrt(jnp.maximum(sq, EPS * EPS))
    norm = sq * inv
    arg = jnp.clip(norm, 0.0, 1.0 - 1e-6)
    att = 0.5 * jnp.log((1.0 + arg) / (1.0 - arg))
    return att * inv


def _expmap0_scale_t(ut):
    sq = jnp.sum(ut * ut, axis=0, keepdims=True)
    inv = lax.rsqrt(jnp.maximum(sq, EPS * EPS))
    return jnp.tanh(sq * inv) * inv


def _transform_t(xt, w_ref, bc_ref):
    t = xt * _logmap0_scale_t(xt)
    yt = lax.dot(w_ref[...], t, preferred_element_type=jnp.float32) + bc_ref[...]
    return yt * _expmap0_scale_t(yt)


def _transform_body(x_ref, w_ref, bc_ref, z_ref):
    xt = x_ref[...].T
    z_ref[...] = _transform_t(xt, w_ref, bc_ref).T


def _transform_mid_body(p_ref, w_ref, bc_ref, z_ref):
    x = jnp.maximum(p_ref[0] + p_ref[1], 0.0)
    z_ref[...] = _transform_t(x.T, w_ref, bc_ref).T


def _classifier_body(p_ref, wt_ref, b_ref, o_ref):
    x = jnp.maximum(p_ref[0] + p_ref[1], 0.0)
    xt = x.T
    t = (xt * _logmap0_scale_t(xt)).T
    o_ref[...] = lax.dot(t, wt_ref[...], preferred_element_type=jnp.float32) + b_ref[...]


def _tc_transform(x, w, b):
    return pl.pallas_call(
        _transform_body,
        grid=(_N_BLKS,),
        in_specs=[
            pl.BlockSpec((_ROWS_PER_BLK, DIM), lambda i: (i, 0)),
            pl.BlockSpec((DIM, DIM), lambda i: (0, 0)),
            pl.BlockSpec((DIM, 1), lambda i: (0, 0)),
        ],
        out_specs=pl.BlockSpec((_ROWS_PER_BLK, DIM), lambda i: (i, 0)),
        out_shape=jax.ShapeDtypeStruct((N_NODES, DIM), jnp.float32),
    )(x, w, b.reshape(DIM, 1))


def _tc_transform_mid(p, w, b):
    return pl.pallas_call(
        _transform_mid_body,
        grid=(_N_BLKS,),
        in_specs=[
            pl.BlockSpec((2, _ROWS_PER_BLK, DIM), lambda i: (0, i, 0)),
            pl.BlockSpec((DIM, DIM), lambda i: (0, 0)),
            pl.BlockSpec((DIM, 1), lambda i: (0, 0)),
        ],
        out_specs=pl.BlockSpec((_ROWS_PER_BLK, DIM), lambda i: (i, 0)),
        out_shape=jax.ShapeDtypeStruct((N_NODES, DIM), jnp.float32),
    )(p, w, b.reshape(DIM, 1))


def _tc_classifier(p, wt, b):
    return pl.pallas_call(
        _classifier_body,
        grid=(_N_BLKS,),
        in_specs=[
            pl.BlockSpec((2, _ROWS_PER_BLK, DIM), lambda i: (0, i, 0)),
            pl.BlockSpec((DIM, NUM_CLASSES), lambda i: (0, 0)),
            pl.BlockSpec((1, NUM_CLASSES), lambda i: (0, 0)),
        ],
        out_specs=pl.BlockSpec((_ROWS_PER_BLK, NUM_CLASSES), lambda i: (i, 0)),
        out_shape=jax.ShapeDtypeStruct((N_NODES, NUM_CLASSES), jnp.float32),
    )(p, wt, b.reshape(1, NUM_CLASSES))


def _sc_segment_sum(z, edge_index, zeros):
    mesh = plsc.VectorSubcoreMesh(core_axis_name="c", subcore_axis_name="s")

    @functools.partial(
        pl.kernel,
        mesh=mesh,
        out_type=jax.ShapeDtypeStruct((2, N_NODES, DIM), jnp.float32),
        scratch_types=[
            pltpu.VMEM((2, _CHUNK), jnp.int32),
            pltpu.VMEM((2, _CHUNK), jnp.int32),
            pltpu.VMEM((2, _CHUNK), jnp.int32),
            pltpu.VMEM((_SUPER, DIM), jnp.float32),
            pltpu.VMEM((_SUPER, DIM), jnp.float32),
            pltpu.VMEM((_SUPER, DIM), jnp.float32),
            pltpu.VMEM_SHARED((N_NODES, DIM), jnp.float32),
            pltpu.SemaphoreType.DMA,
            pltpu.SemaphoreType.DMA,
            pltpu.SemaphoreType.DMA,
            pltpu.SemaphoreType.DMA,
            pltpu.SemaphoreType.DMA,
            pltpu.SemaphoreType.DMA,
            pltpu.SemaphoreType.DMA,
            pltpu.SemaphoreType.DMA,
            pltpu.SemaphoreType.DMA,
        ],
    )
    def seg(z_hbm, ei_hbm, zeros_hbm, out_hbm,
            eb0, eb1, eb2, r0, r1, r2, acc,
            si0, si1, si2, sg0, sg1, sg2, ss0, ss1, ss2):
        eb = (eb0, eb1, eb2)
        rows = (r0, r1, r2)
        sem_i = (si0, si1, si2)
        sem_g = (sg0, sg1, sg2)
        sem_s = (ss0, ss1, ss2)

        cid = lax.axis_index("c")
        sid = lax.axis_index("s")
        wid = sid * 2 + cid
        rbase = pl.multiple_of(sid * _STRIPE + jnp.minimum(sid, 2) * _STRIPE_EXTRA, 8)

        def stripe_copy(src_ref, dst_ref):
            pltpu.sync_copy(src_ref.at[pl.ds(rbase, _STRIPE)],
                            dst_ref.at[pl.ds(rbase, _STRIPE)])

            @pl.when(sid < 2)
            def _():
                tail = pl.multiple_of(rbase + _STRIPE, 8)
                pltpu.sync_copy(src_ref.at[pl.ds(tail, _STRIPE_EXTRA)],
                                dst_ref.at[pl.ds(tail, _STRIPE_EXTRA)])

        def idx_start(b, s):
            off = pl.multiple_of(s * _CHUNK, _CHUNK)
            pltpu.async_copy(ei_hbm.at[:, pl.ds(off, _CHUNK)], eb[b], sem_i[b])

        def idx_wait(b):
            pltpu.make_async_copy(ei_hbm.at[:, pl.ds(0, _CHUNK)], eb[b],
                                  sem_i[b]).wait()

        def gathers_start(b):
            pltpu.async_copy(z_hbm.at[eb[b].at[0]], rows[b], sem_g[b])

        def gathers_wait(b):
            pltpu.make_async_copy(z_hbm.at[eb[b].at[0]], rows[b],
                                  sem_g[b]).wait()

        def scatters_start(b):
            pltpu.async_copy(rows[b], acc.at[eb[b].at[1]], sem_s[b], add=True)

        def scatters_wait(b):
            pltpu.make_async_copy(rows[b], acc.at[eb[b].at[1]],
                                  sem_s[b]).wait()

        base_sup = wid * _NSUP
        idx_start(0, base_sup)
        stripe_copy(zeros_hbm, acc)
        plsc.subcore_barrier()

        def triple(t, carry):
            s0 = base_sup + 3 * t
            for b in range(3):
                bn = (b + 1) % 3
                bp = (b + 2) % 3
                idx_wait(b)
                gathers_start(b)
                if b == 2:
                    scatters_wait(bn)
                else:
                    @pl.when(t > 0)
                    def _(bn=bn):
                        scatters_wait(bn)
                if b == 2:
                    @pl.when(t < _NTRIP - 1)
                    def _():
                        idx_start(0, s0 + 3)
                else:
                    idx_start(bn, s0 + b + 1)
                if b == 0:
                    @pl.when(t > 0)
                    def _():
                        gathers_wait(2)
                        scatters_start(2)
                else:
                    gathers_wait(bp)
                    scatters_start(bp)
            return carry

        lax.fori_loop(0, _NTRIP, triple, 0)
        gathers_wait(2)
        scatters_start(2)
        scatters_wait(1)
        scatters_wait(2)

        @pl.when(wid < _EXTRA)
        def _():
            off = pl.multiple_of((_NW * _FULL + wid) * _CHUNK, _CHUNK)
            pltpu.sync_copy(ei_hbm.at[:, pl.ds(off, _CHUNK)], eb0)
            pltpu.async_copy(z_hbm.at[eb0.at[0]], r0, sg0).wait()
            pltpu.sync_copy(r0, acc.at[eb0.at[1]], add=True)

        plsc.subcore_barrier()
        stripe_copy(acc, out_hbm.at[cid])

    return seg(z, edge_index, zeros)


def kernel(edge_index, entity_embeddings, W1, b1, W2, b2, Wc, bc):
    zeros = jnp.zeros((N_NODES, DIM), jnp.float32)
    z1 = _tc_transform(entity_embeddings, W1, b1)
    p1 = _sc_segment_sum(z1, edge_index, zeros)
    z2 = _tc_transform_mid(p1, W2, b2)
    p2 = _sc_segment_sum(z2, edge_index, zeros)
    return _tc_classifier(p2, Wc.T, bc)

# --- scband reference (transcript-rebuilt; emitter-appended) ---
"""Pipeline reference for scband-hyperbolic-gnn-13125420056910 (READ-ONLY COPY).

The authoritative reference and input builder live on the scoring server;
editing this copy changes nothing except your own understanding.
"""

import jax, jax.numpy as jnp
import numpy as np

N_NODES = 10000
N_EDGES = 320000
DIM = 128
NUM_CLASSES = 10
EPS = 1e-15


def _logmap0(x, c=1.0):
    sqrt_c = jnp.sqrt(c)
    norm = jnp.maximum(jnp.linalg.norm(x, axis=-1, keepdims=True), EPS)
    arg = jnp.clip(sqrt_c * norm, 0.0, 1.0 - 1e-6)
    return x * jnp.arctanh(arg) / (sqrt_c * norm)


def _expmap0(u, c=1.0):
    sqrt_c = jnp.sqrt(c)
    norm = jnp.maximum(jnp.linalg.norm(u, axis=-1, keepdims=True), EPS)
    return jnp.tanh(sqrt_c * norm) * u / (sqrt_c * norm)


def setup_inputs(seed: int = 0) -> dict:
    key = jax.random.key(seed)
    k_e, k_emb, k_w1, k_w2, k_wc = jax.random.split(key, 5)
    edge_index = jax.random.randint(k_e, (2, N_EDGES), 0, N_NODES, dtype=jnp.int32)
    # manifold.random -> points on the Poincare ball: exp map of small tangent noise
    entity_embeddings = _expmap0(0.1 * jax.random.normal(k_emb, (N_NODES, DIM), dtype=jnp.float32))
    scale = 1.0 / np.sqrt(DIM)
    W1 = scale * jax.random.normal(k_w1, (DIM, DIM), dtype=jnp.float32)
    b1 = jnp.zeros((DIM,), dtype=jnp.float32)
    W2 = scale * jax.random.normal(k_w2, (DIM, DIM), dtype=jnp.float32)
    b2 = jnp.zeros((DIM,), dtype=jnp.float32)
    Wc = scale * jax.random.normal(k_wc, (NUM_CLASSES, DIM), dtype=jnp.float32)
    bc = jnp.zeros((NUM_CLASSES,), dtype=jnp.float32)
    return {"edge_index": edge_index, "entity_embeddings": entity_embeddings,
            "W1": W1, "b1": b1, "W2": W2, "b2": b2, "Wc": Wc, "bc": bc}


def _hyp_conv(x, edge_index, W, b, num_nodes):
    x_tangent = _logmap0(x)
    x_transformed = x_tangent @ W.T + b
    x_new = _expmap0(x_transformed)
    src = edge_index[0]
    dst = edge_index[1]
    msgs = jnp.take(x_new, src, axis=0)          # gather x_j
    out = jax.ops.segment_sum(msgs, dst, num_segments=num_nodes)  # aggr='add'
    return out


def reference(edge_index, entity_embeddings, W1, b1, W2, b2, Wc, bc):
    n = entity_embeddings.shape[0]
    x = entity_embeddings
    x = _hyp_conv(x, edge_index, W1, b1, n)
    x = jax.nn.relu(x)
    x = _hyp_conv(x, edge_index, W2, b2, n)
    x = jax.nn.relu(x)
    x_tangent = _logmap0(x)
    out = x_tangent @ Wc.T + bc
    return out

if __name__ == "__main__":
    import jax
    _d = setup_inputs()
    print(jax.jit(kernel)(*tuple(_d.values())))

</pallas_src>

<mosaic_0001>
#map = affine_map<(d0, d1) -> (0, 0)>
#map1 = affine_map<(d0, d1) -> (0, 0, 0)>
module attributes {stable_mosaic.version = 14 : i64} {
  func.func @seg(%arg0: i32, %arg1: i32, %arg2: memref<10000x128xf32, #tpu.memory_space<hbm>>, %arg3: memref<2x320000xi32, #tpu.memory_space<hbm>>, %arg4: memref<10000x128xf32, #tpu.memory_space<hbm>>, %arg5: memref<2x10000x128xf32, #tpu.memory_space<hbm>>, %arg6: memref<2x128xi32, #tpu.memory_space<vmem>>, %arg7: memref<2x128xi32, #tpu.memory_space<vmem>>, %arg8: memref<2x128xi32, #tpu.memory_space<vmem>>, %arg9: memref<128x128xf32, #tpu.memory_space<vmem>>, %arg10: memref<128x128xf32, #tpu.memory_space<vmem>>, %arg11: memref<128x128xf32, #tpu.memory_space<vmem>>, %arg12: memref<10000x128xf32, #tpu.memory_space<vmem_shared>>, %arg13: memref<!tpu.dma_semaphore, #tpu.memory_space<semaphore_mem>>, %arg14: memref<!tpu.dma_semaphore, #tpu.memory_space<semaphore_mem>>, %arg15: memref<!tpu.dma_semaphore, #tpu.memory_space<semaphore_mem>>, %arg16: memref<!tpu.dma_semaphore, #tpu.memory_space<semaphore_mem>>, %arg17: memref<!tpu.dma_semaphore, #tpu.memory_space<semaphore_mem>>, %arg18: memref<!tpu.dma_semaphore, #tpu.memory_space<semaphore_mem>>, %arg19: memref<!tpu.dma_semaphore, #tpu.memory_space<semaphore_mem>>, %arg20: memref<!tpu.dma_semaphore, #tpu.memory_space<semaphore_mem>>, %arg21: memref<!tpu.dma_semaphore, #tpu.memory_space<semaphore_mem>>) attributes {dimension_semantics = [#tpu.dimension_semantics<core_parallel>, #tpu.dimension_semantics<subcore_parallel>], iteration_bounds = array<i64: 2, 16>, scalar_prefetch = 0 : i64, scratch_operands = 16 : i64, tpu.core_type = #tpu.core_type<sc_vector_subcore>, window_params = [{transform_indices = #map}, {transform_indices = #map}, {transform_indices = #map}, {transform_indices = #map1}]} {
    %mul3A = arith.constant 2 : i32
    %mul3A_0 = arith.muli %arg1, %mul3A : i32
    %add3A = arith.addi %mul3A_0, %arg0 : i32
    %mul3A_1 = arith.constant 624 : i32
    %mul3A_2 = arith.muli %arg1, %mul3A_1 : i32
    %min3A = arith.constant 2 : i32
    %min3A_3 = arith.minsi %arg1, %min3A : i32
    %mul3A_4 = arith.constant 8 : i32
    %mul3A_5 = arith.muli %min3A_3, %mul3A_4 : i32
    %add3A_6 = arith.addi %mul3A_2, %mul3A_5 : i32
    %multiple_of3A = tpu.assume_multiple %add3A_6, 8 : i32
    %mul3A_7 = arith.constant 78 : i32
    %mul3A_8 = arith.muli %add3A, %mul3A_7 : i32
    %mul3A_9 = arith.constant 128 : i32
    %mul3A_10 = arith.muli %mul3A_8, %mul3A_9 : i32
    %multiple_of3A_11 = tpu.assume_multiple %mul3A_10, 128 : i32
    %dma_start3A = arith.constant 0 : i32
    %dma_start3A_12 = tpu.memref_slice %arg3[%dma_start3A, %multiple_of3A_11] : memref<2x320000xi32, #tpu.memory_space<hbm>> -> memref<2x128xi32, #tpu.memory_space<hbm>>
    %dma_start3A_13 = arith.constant 0 : i32
    %dma_start3A_14 = tpu.memref_slice %arg3[%dma_start3A_13, %multiple_of3A_11] : memref<2x320000xi32, #tpu.memory_space<hbm>> -> memref<2x128xi32, #tpu.memory_space<hbm>>
    tpu.enqueue_dma source(%dma_start3A_14 : memref<2x128xi32, #tpu.memory_space<hbm>>) target(%arg6 : memref<2x128xi32, #tpu.memory_space<vmem>>) target_semaphore(%arg13 : memref<!tpu.dma_semaphore, #tpu.memory_space<semaphore_mem>>)
    "tpu.region"() ({
      %run_scoped3A = tpu.sem_alloc : memref<!tpu.dma_semaphore, #tpu.memory_space<semaphore_mem>>
      %dma_start3A_60 = arith.constant 0 : i32
      %dma_start3A_61 = tpu.memref_slice %arg12[%multiple_of3A, %dma_start3A_60] : memref<10000x128xf32, #tpu.memory_space<vmem_shared>> -> memref<624x128xf32, #tpu.memory_space<vmem_shared>>
      %dma_start3A_62 = arith.constant 0 : i32
      %dma_start3A_63 = tpu.memref_slice %arg4[%multiple_of3A, %dma_start3A_62] : memref<10000x128xf32, #tpu.memory_space<hbm>> -> memref<624x128xf32, #tpu.memory_space<hbm>>
      tpu.enqueue_dma source(%dma_start3A_63 : memref<624x128xf32, #tpu.memory_space<hbm>>) target(%dma_start3A_61 : memref<624x128xf32, #tpu.memory_space<vmem_shared>>) target_semaphore(%run_scoped3A : memref<!tpu.dma_semaphore, #tpu.memory_space<semaphore_mem>>)
      %dma_wait3A_64 = arith.constant 0 : i32
      %dma_wait3A_65 = tpu.memref_slice %arg12[%multiple_of3A, %dma_wait3A_64] : memref<10000x128xf32, #tpu.memory_space<vmem_shared>> -> memref<624x128xf32, #tpu.memory_space<vmem_shared>>
      %dma_wait3A_66 = arith.constant 0 : i32
      %dma_wait3A_67 = tpu.memref_slice %arg4[%multiple_of3A, %dma_wait3A_66] : memref<10000x128xf32, #tpu.memory_space<hbm>> -> memref<624x128xf32, #tpu.memory_space<hbm>>
      tpu.wait_dma2 semaphore(%run_scoped3A : memref<!tpu.dma_semaphore, #tpu.memory_space<semaphore_mem>>) src(%dma_wait3A_67 : memref<624x128xf32, #tpu.memory_space<hbm>>) dst(%dma_wait3A_65 : memref<624x128xf32, #tpu.memory_space<vmem_shared>>)
      tpu.yield
    }) : () -> ()
    %lt3A = arith.constant 2 : i32
    %lt3A_15 = arith.cmpi slt, %arg1, %lt3A : i32
    %convert_element_type3A = arith.extui %lt3A_15 : i1 to i32
    %cond3A = arith.constant 0 : i32
    %cond3A_16 = arith.cmpi ne, %convert_element_type3A, %cond3A : i32
    scf.if %cond3A_16 {
      %add3A_60 = arith.constant 624 : i32
      %add3A_61 = arith.addi %multiple_of3A, %add3A_60 : i32
      %multiple_of3A_62 = tpu.assume_multiple %add3A_61, 8 : i32
      "tpu.region"() ({
        %run_scoped3A = tpu.sem_alloc : memref<!tpu.dma_semaphore, #tpu.memory_space<semaphore_mem>>
        %dma_start3A_63 = arith.constant 0 : i32
        %dma_start3A_64 = tpu.memref_slice %arg12[%multiple_of3A_62, %dma_start3A_63] : memref<10000x128xf32, #tpu.memory_space<vmem_shared>> -> memref<8x128xf32, #tpu.memory_space<vmem_shared>>
        %dma_start3A_65 = arith.constant 0 : i32
        %dma_start3A_66 = tpu.memref_slice %arg4[%multiple_of3A_62, %dma_start3A_65] : memref<10000x128xf32, #tpu.memory_space<hbm>> -> memref<8x128xf32, #tpu.memory_space<hbm>>
        tpu.enqueue_dma source(%dma_start3A_66 : memref<8x128xf32, #tpu.memory_space<hbm>>) target(%dma_start3A_64 : memref<8x128xf32, #tpu.memory_space<vmem_shared>>) target_semaphore(%run_scoped3A : memref<!tpu.dma_semaphore, #tpu.memory_space<semaphore_mem>>)
        %dma_wait3A_67 = arith.constant 0 : i32
        %dma_wait3A_68 = tpu.memref_slice %arg12[%multiple_of3A_62, %dma_wait3A_67] : memref<10000x128xf32, #tpu.memory_space<vmem_shared>> -> memref<8x128xf32, #tpu.memory_space<vmem_shared>>
        %dma_wait3A_69 = arith.constant 0 : i32
        %dma_wait3A_70 = tpu.memref_slice %arg4[%multiple_of3A_62, %dma_wait3A_69] : memref<10000x128xf32, #tpu.memory_space<hbm>> -> memref<8x128xf32, #tpu.memory_space<hbm>>
        tpu.wait_dma2 semaphore(%run_scoped3A : memref<!tpu.dma_semaphore, #tpu.memory_space<semaphore_mem>>) src(%dma_wait3A_70 : memref<8x128xf32, #tpu.memory_space<hbm>>) dst(%dma_wait3A_68 : memref<8x128xf32, #tpu.memory_space<vmem_shared>>)
        tpu.yield
      }) : () -> ()
    } else {
    }
    %barrier3A = arith.constant 0 : index
    tpu.barrier barrier_id(%barrier3A)
    %scan3A = arith.constant 0 : i32
    %scan3A_17 = arith.constant 0 : i32
    %scan3A_18 = arith.constant 26 : i32
    %scan3A_19 = arith.addi %scan3A_17, %scan3A_18 : i32
    %scan3A_20 = arith.constant 1 : i32
    scf.for %scan3A_60 = %scan3A_17 to %scan3A_19 step %scan3A_20  : i32 {
      %mul3A_61 = arith.constant 3 : i32
      %mul3A_62 = arith.muli %mul3A_61, %scan3A_60 : i32
      %add3A_63 = arith.addi %mul3A_8, %mul3A_62 : i32
      %dma_wait3A_64 = arith.constant 0 : i32
      %dma_wait3A_65 = arith.constant 0 : i32
      %dma_wait3A_66 = tpu.memref_slice %arg3[%dma_wait3A_64, %dma_wait3A_65] : memref<2x320000xi32, #tpu.memory_space<hbm>> -> memref<2x128xi32, #tpu.memory_space<hbm>>
      %dma_wait3A_67 = arith.constant 0 : i32
      %dma_wait3A_68 = arith.constant 0 : i32
      %dma_wait3A_69 = tpu.memref_slice %arg3[%dma_wait3A_67, %dma_wait3A_68] : memref<2x320000xi32, #tpu.memory_space<hbm>> -> memref<2x128xi32, #tpu.memory_space<hbm>>
      tpu.wait_dma2 semaphore(%arg13 : memref<!tpu.dma_semaphore, #tpu.memory_space<semaphore_mem>>) src(%dma_wait3A_69 : memref<2x128xi32, #tpu.memory_space<hbm>>) dst(%arg6 : memref<2x128xi32, #tpu.memory_space<vmem>>)
      %dma_start3A_70 = arith.constant 0 : i32
      %dma_start3A_71 = arith.constant 0 : i32
      %dma_start3A_72 = tpu.memref_slice %arg6[%dma_start3A_70, %dma_start3A_71] : memref<2x128xi32, #tpu.memory_space<vmem>> -> memref<1x128xi32, #tpu.memory_space<vmem>>
      %dma_start3A_73 = tpu.memref_squeeze %dma_start3A_72 : memref<1x128xi32, #tpu.memory_space<vmem>> -> memref<128xi32, #tpu.memory_space<vmem>>
      %dma_start3A_74 = arith.constant 0 : i32
      %dma_start3A_75 = arith.constant 0 : i32
      %dma_start3A_76 = tpu.memref_slice %arg2[%dma_start3A_74, %dma_start3A_75] : memref<10000x128xf32, #tpu.memory_space<hbm>> -> memref<10000x128xf32, #tpu.memory_space<hbm>>
      tpu.enqueue_indirect_dma source(%dma_start3A_76 : memref<10000x128xf32, #tpu.memory_space<hbm>>) target(%arg9 : memref<128x128xf32, #tpu.memory_space<vmem>>) offsets(%dma_start3A_73 : memref<128xi32, #tpu.memory_space<vmem>>) semaphore(%arg16 : memref<!tpu.dma_semaphore, #tpu.memory_space<semaphore_mem>>)
      %gt3A = arith.constant 0 : i32
      %gt3A_77 = arith.cmpi sgt, %scan3A_60, %gt3A : i32
      %convert_element_type3A_78 = arith.extui %gt3A_77 : i1 to i32
      %cond3A_79 = arith.constant 0 : i32
      %cond3A_80 = arith.cmpi ne, %convert_element_type3A_78, %cond3A_79 : i32
      scf.if %cond3A_80 {
        %dma_wait3A_179 = arith.constant 1 : i32
        %dma_wait3A_180 = arith.constant 0 : i32
        %dma_wait3A_181 = tpu.memref_slice %arg7[%dma_wait3A_179, %dma_wait3A_180] : memref<2x128xi32, #tpu.memory_space<vmem>> -> memref<1x128xi32, #tpu.memory_space<vmem>>
        %dma_wait3A_182 = tpu.memref_squeeze %dma_wait3A_181 : memref<1x128xi32, #tpu.memory_space<vmem>> -> memref<128xi32, #tpu.memory_space<vmem>>
        %dma_wait3A_183 = arith.constant 0 : i32
        %dma_wait3A_184 = arith.constant 0 : i32
        %dma_wait3A_185 = tpu.memref_slice %arg12[%dma_wait3A_183, %dma_wait3A_184] : memref<10000x128xf32, #tpu.memory_space<vmem_shared>> -> memref<10000x128xf32, #tpu.memory_space<vmem_shared>>
        tpu.wait_indirect_dma semaphore(%arg20 : memref<!tpu.dma_semaphore, #tpu.memory_space<semaphore_mem>>) src(%arg10 : memref<128x128xf32, #tpu.memory_space<vmem>>) dst(%dma_wait3A_185 : memref<10000x128xf32, #tpu.memory_space<vmem_shared>>)
      } else {
      }
      %add3A_81 = arith.constant 0 : i32
      %add3A_82 = arith.addi %add3A_63, %add3A_81 : i32
      %add3A_83 = arith.constant 1 : i32
      %add3A_84 = arith.addi %add3A_82, %add3A_83 : i32
      %mul3A_85 = arith.constant 128 : i32
      %mul3A_86 = arith.muli %add3A_84, %mul3A_85 : i32
      %multiple_of3A_87 = tpu.assume_multiple %mul3A_86, 128 : i32
      %dma_start3A_88 = arith.constant 0 : i32
      %dma_start3A_89 = tpu.memref_slice %arg3[%dma_start3A_88, %multiple_of3A_87] : memref<2x320000xi32, #tpu.memory_space<hbm>> -> memref<2x128xi32, #tpu.memory_space<hbm>>
      %dma_start3A_90 = arith.constant 0 : i32
      %dma_start3A_91 = tpu.memref_slice %arg3[%dma_start3A_90, %multiple_of3A_87] : memref<2x320000xi32, #tpu.memory_space<hbm>> -> memref<2x128xi32, #tpu.memory_space<hbm>>
      tpu.enqueue_dma source(%dma_start3A_91 : memref<2x128xi32, #tpu.memory_space<hbm>>) target(%arg7 : memref<2x128xi32, #tpu.memory_space<vmem>>) target_semaphore(%arg14 : memref<!tpu.dma_semaphore, #tpu.memory_space<semaphore_mem>>)
      %gt3A_92 = arith.constant 0 : i32
      %gt3A_93 = arith.cmpi sgt, %scan3A_60, %gt3A_92 : i32
      %convert_element_type3A_94 = arith.extui %gt3A_93 : i1 to i32
      %cond3A_95 = arith.constant 0 : i32
      %cond3A_96 = arith.cmpi ne, %convert_element_type3A_94, %cond3A_95 : i32
      scf.if %cond3A_96 {
        %dma_wait3A_179 = arith.constant 0 : i32
        %dma_wait3A_180 = arith.constant 0 : i32
        %dma_wait3A_181 = tpu.memref_slice %arg8[%dma_wait3A_179, %dma_wait3A_180] : memref<2x128xi32, #tpu.memory_space<vmem>> -> memref<1x128xi32, #tpu.memory_space<vmem>>
        %dma_wait3A_182 = tpu.memref_squeeze %dma_wait3A_181 : memref<1x128xi32, #tpu.memory_space<vmem>> -> memref<128xi32, #tpu.memory_space<vmem>>
        %dma_wait3A_183 = arith.constant 0 : i32
        %dma_wait3A_184 = arith.constant 0 : i32
        %dma_wait3A_185 = tpu.memref_slice %arg2[%dma_wait3A_183, %dma_wait3A_184] : memref<10000x128xf32, #tpu.memory_space<hbm>> -> memref<10000x128xf32, #tpu.memory_space<hbm>>
        tpu.wait_indirect_dma semaphore(%arg18 : memref<!tpu.dma_semaphore, #tpu.memory_space<semaphore_mem>>) src(%dma_wait3A_185 : memref<10000x128xf32, #tpu.memory_space<hbm>>) dst(%arg11 : memref<128x128xf32, #tpu.memory_space<vmem>>)
        %dma_start3A_186 = arith.constant 1 : i32
        %dma_start3A_187 = arith.constant 0 : i32
        %dma_start3A_188 = tpu.memref_slice %arg8[%dma_start3A_186, %dma_start3A_187] : memref<2x128xi32, #tpu.memory_space<vmem>> -> memref<1x128xi32, #tpu.memory_space<vmem>>
        %dma_start3A_189 = tpu.memref_squeeze %dma_start3A_188 : memref<1x128xi32, #tpu.memory_space<vmem>> -> memref<128xi32, #tpu.memory_space<vmem>>
        %dma_start3A_190 = arith.constant 0 : i32
        %dma_start3A_191 = arith.constant 0 : i32
        %dma_start3A_192 = tpu.memref_slice %arg12[%dma_start3A_190, %dma_start3A_191] : memref<10000x128xf32, #tpu.memory_space<vmem_shared>> -> memref<10000x128xf32, #tpu.memory_space<vmem_shared>>
        tpu.enqueue_indirect_dma source(%arg11 : memref<128x128xf32, #tpu.memory_space<vmem>>) target(%dma_start3A_192 : memref<10000x128xf32, #tpu.memory_space<vmem_shared>>) offsets(%dma_start3A_189 : memref<128xi32, #tpu.memory_space<vmem>>) semaphore(%arg21 : memref<!tpu.dma_semaphore, #tpu.memory_space<semaphore_mem>>) {add = true}
      } else {
      }
      %dma_wait3A_97 = arith.constant 0 : i32
      %dma_wait3A_98 = arith.constant 0 : i32
      %dma_wait3A_99 = tpu.memref_slice %arg3[%dma_wait3A_97, %dma_wait3A_98] : memref<2x320000xi32, #tpu.memory_space<hbm>> -> memref<2x128xi32, #tpu.memory_space<hbm>>
      %dma_wait3A_100 = arith.constant 0 : i32
      %dma_wait3A_101 = arith.constant 0 : i32
      %dma_wait3A_102 = tpu.memref_slice %arg3[%dma_wait3A_100, %dma_wait3A_101] : memref<2x320000xi32, #tpu.memory_space<hbm>> -> memref<2x128xi32, #tpu.memory_space<hbm>>
      tpu.wait_dma2 semaphore(%arg14 : memref<!tpu.dma_semaphore, #tpu.memory_space<semaphore_mem>>) src(%dma_wait3A_102 : memref<2x128xi32, #tpu.memory_space<hbm>>) dst(%arg7 : memref<2x128xi32, #tpu.memory_space<vmem>>)
      %dma_start3A_103 = arith.constant 0 : i32
      %dma_start3A_104 = arith.constant 0 : i32
      %dma_start3A_105 = tpu.memref_slice %arg7[%dma_start3A_103, %dma_start3A_104] : memref<2x128xi32, #tpu.memory_space<vmem>> -> memref<1x128xi32, #tpu.memory_space<vmem>>
      %dma_start3A_106 = tpu.memref_squeeze %dma_start3A_105 : memref<1x128xi32, #tpu.memory_space<vmem>> -> memref<128xi32, #tpu.memory_space<vmem>>
      %dma_start3A_107 = arith.constant 0 : i32
      %dma_start3A_108 = arith.constant 0 : i32
      %dma_start3A_109 = tpu.memref_slice %arg2[%dma_start3A_107, %dma_start3A_108] : memref<10000x128xf32, #tpu.memory_space<hbm>> -> memref<10000x128xf32, #tpu.memory_space<hbm>>
      tpu.enqueue_indirect_dma source(%dma_start3A_109 : memref<10000x128xf32, #tpu.memory_space<hbm>>) target(%arg10 : memref<128x128xf32, #tpu.memory_space<vmem>>) offsets(%dma_start3A_106 : memref<128xi32, #tpu.memory_space<vmem>>) semaphore(%arg17 : memref<!tpu.dma_semaphore, #tpu.memory_space<semaphore_mem>>)
      %gt3A_110 = arith.constant 0 : i32
      %gt3A_111 = arith.cmpi sgt, %scan3A_60, %gt3A_110 : i32
      %convert_element_type3A_112 = arith.extui %gt3A_111 : i1 to i32
      %cond3A_113 = arith.constant 0 : i32
      %cond3A_114 = arith.cmpi ne, %convert_element_type3A_112, %cond3A_113 : i32
      scf.if %cond3A_114 {
        %dma_wait3A_179 = arith.constant 1 : i32
        %dma_wait3A_180 = arith.constant 0 : i32
        %dma_wait3A_181 = tpu.memref_slice %arg8[%dma_wait3A_179, %dma_wait3A_180] : memref<2x128xi32, #tpu.memory_space<vmem>> -> memref<1x128xi32, #tpu.memory_space<vmem>>
        %dma_wait3A_182 = tpu.memref_squeeze %dma_wait3A_181 : memref<1x128xi32, #tpu.memory_space<vmem>> -> memref<128xi32, #tpu.memory_space<vmem>>
        %dma_wait3A_183 = arith.constant 0 : i32
        %dma_wait3A_184 = arith.constant 0 : i32
        %dma_wait3A_185 = tpu.memref_slice %arg12[%dma_wait3A_183, %dma_wait3A_184] : memref<10000x128xf32, #tpu.memory_space<vmem_shared>> -> memref<10000x128xf32, #tpu.memory_space<vmem_shared>>
        tpu.wait_indirect_dma semaphore(%arg21 : memref<!tpu.dma_semaphore, #tpu.memory_space<semaphore_mem>>) src(%arg11 : memref<128x128xf32, #tpu.memory_space<vmem>>) dst(%dma_wait3A_185 : memref<10000x128xf32, #tpu.memory_space<vmem_shared>>)
      } else {
      }
      %add3A_115 = arith.constant 1 : i32
      %add3A_116 = arith.addi %add3A_63, %add3A_115 : i32
      %add3A_117 = arith.constant 1 : i32
      %add3A_118 = arith.addi %add3A_116, %add3A_117 : i32
      %mul3A_119 = arith.constant 128 : i32
      %mul3A_120 = arith.muli %add3A_118, %mul3A_119 : i32
      %multiple_of3A_121 = tpu.assume_multiple %mul3A_120, 128 : i32
      %dma_start3A_122 = arith.constant 0 : i32
      %dma_start3A_123 = tpu.memref_slice %arg3[%dma_start3A_122, %multiple_of3A_121] : memref<2x320000xi32, #tpu.memory_space<hbm>> -> memref<2x128xi32, #tpu.memory_space<hbm>>
      %dma_start3A_124 = arith.constant 0 : i32
      %dma_start3A_125 = tpu.memref_slice %arg3[%dma_start3A_124, %multiple_of3A_121] : memref<2x320000xi32, #tpu.memory_space<hbm>> -> memref<2x128xi32, #tpu.memory_space<hbm>>
      tpu.enqueue_dma source(%dma_start3A_125 : memref<2x128xi32, #tpu.memory_space<hbm>>) target(%arg8 : memref<2x128xi32, #tpu.memory_space<vmem>>) target_semaphore(%arg15 : memref<!tpu.dma_semaphore, #tpu.memory_space<semaphore_mem>>)
      %dma_wait3A_126 = arith.constant 0 : i32
      %dma_wait3A_127 = arith.constant 0 : i32
      %dma_wait3A_128 = tpu.memref_slice %arg6[%dma_wait3A_126, %dma_wait3A_127] : memref<2x128xi32, #tpu.memory_space<vmem>> -> memref<1x128xi32, #tpu.memory_space<vmem>>
      %dma_wait3A_129 = tpu.memref_squeeze %dma_wait3A_128 : memref<1x128xi32, #tpu.memory_space<vmem>> -> memref<128xi32, #tpu.memory_space<vmem>>
      %dma_wait3A_130 = arith.constant 0 : i32
      %dma_wait3A_131 = arith.constant 0 : i32
      %dma_wait3A_132 = tpu.memref_slice %arg2[%dma_wait3A_130, %dma_wait3A_131] : memref<10000x128xf32, #tpu.memory_space<hbm>> -> memref<10000x128xf32, #tpu.memory_space<hbm>>
      tpu.wait_indirect_dma semaphore(%arg16 : memref<!tpu.dma_semaphore, #tpu.memory_space<semaphore_mem>>) src(%dma_wait3A_132 : memref<10000x128xf32, #tpu.memory_space<hbm>>) dst(%arg9 : memref<128x128xf32, #tpu.memory_space<vmem>>)
      %dma_start3A_133 = arith.constant 1 : i32
      %dma_start3A_134 = arith.constant 0 : i32
      %dma_start3A_135 = tpu.memref_slice %arg6[%dma_start3A_133, %dma_start3A_134] : memref<2x128xi32, #tpu.memory_space<vmem>> -> memref<1x128xi32, #tpu.memory_space<vmem>>
      %dma_start3A_136 = tpu.memref_squeeze %dma_start3A_135 : memref<1x128xi32, #tpu.memory_space<vmem>> -> memref<128xi32, #tpu.memory_space<vmem>>
      %dma_start3A_137 = arith.constant 0 : i32
      %dma_start3A_138 = arith.constant 0 : i32
      %dma_start3A_139 = tpu.memref_slice %arg12[%dma_start3A_137, %dma_start3A_138] : memref<10000x128xf32, #tpu.memory_space<vmem_shared>> -> memref<10000x128xf32, #tpu.memory_space<vmem_shared>>
      tpu.enqueue_indirect_dma source(%arg9 : memref<128x128xf32, #tpu.memory_space<vmem>>) target(%dma_start3A_139 : memref<10000x128xf32, #tpu.memory_space<vmem_shared>>) offsets(%dma_start3A_136 : memref<128xi32, #tpu.memory_space<vmem>>) semaphore(%arg19 : memref<!tpu.dma_semaphore, #tpu.memory_space<semaphore_mem>>) {add = true}
      %dma_wait3A_140 = arith.constant 0 : i32
      %dma_wait3A_141 = arith.constant 0 : i32
      %dma_wait3A_142 = tpu.memref_slice %arg3[%dma_wait3A_140, %dma_wait3A_141] : memref<2x320000xi32, #tpu.memory_space<hbm>> -> memref<2x128xi32, #tpu.memory_space<hbm>>
      %dma_wait3A_143 = arith.constant 0 : i32
      %dma_wait3A_144 = arith.constant 0 : i32
      %dma_wait3A_145 = tpu.memref_slice %arg3[%dma_wait3A_143, %dma_wait3A_144] : memref<2x320000xi32, #tpu.memory_space<hbm>> -> memref<2x128xi32, #tpu.memory_space<hbm>>
      tpu.wait_dma2 semaphore(%arg15 : memref<!tpu.dma_semaphore, #tpu.memory_space<semaphore_mem>>) src(%dma_wait3A_145 : memref<2x128xi32, #tpu.memory_space<hbm>>) dst(%arg8 : memref<2x128xi32, #tpu.memory_space<vmem>>)
      %dma_start3A_146 = arith.constant 0 : i32
      %dma_start3A_147 = arith.constant 0 : i32
      %dma_start3A_148 = tpu.memref_slice %arg8[%dma_start3A_146, %dma_start3A_147] : memref<2x128xi32, #tpu.memory_space<vmem>> -> memref<1x128xi32, #tpu.memory_space<vmem>>
      %dma_start3A_149 = tpu.memref_squeeze %dma_start3A_148 : memref<1x128xi32, #tpu.memory_space<vmem>> -> memref<128xi32, #tpu.memory_space<vmem>>
      %dma_start3A_150 = arith.constant 0 : i32
      %dma_start3A_151 = arith.constant 0 : i32
      %dma_start3A_152 = tpu.memref_slice %arg2[%dma_start3A_150, %dma_start3A_151] : memref<10000x128xf32, #tpu.memory_space<hbm>> -> memref<10000x128xf32, #tpu.memory_space<hbm>>
      tpu.enqueue_indirect_dma source(%dma_start3A_152 : memref<10000x128xf32, #tpu.memory_space<hbm>>) target(%arg11 : memref<128x128xf32, #tpu.memory_space<vmem>>) offsets(%dma_start3A_149 : memref<128xi32, #tpu.memory_space<vmem>>) semaphore(%arg18 : memref<!tpu.dma_semaphore, #tpu.memory_space<semaphore_mem>>)
      %dma_wait3A_153 = arith.constant 1 : i32
      %dma_wait3A_154 = arith.constant 0 : i32
      %dma_wait3A_155 = tpu.memref_slice %arg6[%dma_wait3A_153, %dma_wait3A_154] : memref<2x128xi32, #tpu.memory_space<vmem>> -> memref<1x128xi32, #tpu.memory_space<vmem>>
      %dma_wait3A_156 = tpu.memref_squeeze %dma_wait3A_155 : memref<1x128xi32, #tpu.memory_space<vmem>> -> memref<128xi32, #tpu.memory_space<vmem>>
      %dma_wait3A_157 = arith.constant 0 : i32
      %dma_wait3A_158 = arith.constant 0 : i32
      %dma_wait3A_159 = tpu.memref_slice %arg12[%dma_wait3A_157, %dma_wait3A_158] : memref<10000x128xf32, #tpu.memory_space<vmem_shared>> -> memref<10000x128xf32, #tpu.memory_space<vmem_shared>>
      tpu.wait_indirect_dma semaphore(%arg19 : memref<!tpu.dma_semaphore, #tpu.memory_space<semaphore_mem>>) src(%arg9 : memref<128x128xf32, #tpu.memory_space<vmem>>) dst(%dma_wait3A_159 : memref<10000x128xf32, #tpu.memory_space<vmem_shared>>)
      %lt3A_160 = arith.constant 25 : i32
      %lt3A_161 = arith.cmpi slt, %scan3A_60, %lt3A_160 : i32
      %convert_element_type3A_162 = arith.extui %lt3A_161 : i1 to i32
      %cond3A_163 = arith.constant 0 : i32
      %cond3A_164 = arith.cmpi ne, %convert_element_type3A_162, %cond3A_163 : i32
      scf.if %cond3A_164 {
        %add3A_179 = arith.constant 3 : i32
        %add3A_180 = arith.addi %add3A_63, %add3A_179 : i32
        %mul3A_181 = arith.constant 128 : i32
        %mul3A_182 = arith.muli %add3A_180, %mul3A_181 : i32
        %multiple_of3A_183 = tpu.assume_multiple %mul3A_182, 128 : i32
        %dma_start3A_184 = arith.constant 0 : i32
        %dma_start3A_185 = tpu.memref_slice %arg3[%dma_start3A_184, %multiple_of3A_183] : memref<2x320000xi32, #tpu.memory_space<hbm>> -> memref<2x128xi32, #tpu.memory_space<hbm>>
        %dma_start3A_186 = arith.constant 0 : i32
        %dma_start3A_187 = tpu.memref_slice %arg3[%dma_start3A_186, %multiple_of3A_183] : memref<2x320000xi32, #tpu.memory_space<hbm>> -> memref<2x128xi32, #tpu.memory_space<hbm>>
        tpu.enqueue_dma source(%dma_start3A_187 : memref<2x128xi32, #tpu.memory_space<hbm>>) target(%arg6 : memref<2x128xi32, #tpu.memory_space<vmem>>) target_semaphore(%arg13 : memref<!tpu.dma_semaphore, #tpu.memory_space<semaphore_mem>>)
      } else {
      }
      %dma_wait3A_165 = arith.constant 0 : i32
      %dma_wait3A_166 = arith.constant 0 : i32
      %dma_wait3A_167 = tpu.memref_slice %arg7[%dma_wait3A_165, %dma_wait3A_166] : memref<2x128xi32, #tpu.memory_space<vmem>> -> memref<1x128xi32, #tpu.memory_space<vmem>>
      %dma_wait3A_168 = tpu.memref_squeeze %dma_wait3A_167 : memref<1x128xi32, #tpu.memory_space<vmem>> -> memref<128xi32, #tpu.memory_space<vmem>>
      %dma_wait3A_169 = arith.constant 0 : i32
      %dma_wait3A_170 = arith.constant 0 : i32
      %dma_wait3A_171 = tpu.memref_slice %arg2[%dma_wait3A_169, %dma_wait3A_170] : memref<10000x128xf32, #tpu.memory_space<hbm>> -> memref<10000x128xf32, #tpu.memory_space<hbm>>
      tpu.wait_indirect_dma semaphore(%arg17 : memref<!tpu.dma_semaphore, #tpu.memory_space<semaphore_mem>>) src(%dma_wait3A_171 : memref<10000x128xf32, #tpu.memory_space<hbm>>) dst(%arg10 : memref<128x128xf32, #tpu.memory_space<vmem>>)
      %dma_start3A_172 = arith.constant 1 : i32
      %dma_start3A_173 = arith.constant 0 : i32
      %dma_start3A_174 = tpu.memref_slice %arg7[%dma_start3A_172, %dma_start3A_173] : memref<2x128xi32, #tpu.memory_space<vmem>> -> memref<1x128xi32, #tpu.memory_space<vmem>>
      %dma_start3A_175 = tpu.memref_squeeze %dma_start3A_174 : memref<1x128xi32, #tpu.memory_space<vmem>> -> memref<128xi32, #tpu.memory_space<vmem>>
      %dma_start3A_176 = arith.constant 0 : i32
      %dma_start3A_177 = arith.constant 0 : i32
      %dma_start3A_178 = tpu.memref_slice %arg12[%dma_start3A_176, %dma_start3A_177] : memref<10000x128xf32, #tpu.memory_space<vmem_shared>> -> memref<10000x128xf32, #tpu.memory_space<vmem_shared>>
      tpu.enqueue_indirect_dma source(%arg10 : memref<128x128xf32, #tpu.memory_space<vmem>>) target(%dma_start3A_178 : memref<10000x128xf32, #tpu.memory_space<vmem_shared>>) offsets(%dma_start3A_175 : memref<128xi32, #tpu.memory_space<vmem>>) semaphore(%arg20 : memref<!tpu.dma_semaphore, #tpu.memory_space<semaphore_mem>>) {add = true}
    }
    %scan3A_21 = arith.constant 26 : i32
    %dma_wait3A = arith.constant 0 : i32
    %dma_wait3A_22 = arith.constant 0 : i32
    %dma_wait3A_23 = tpu.memref_slice %arg8[%dma_wait3A, %dma_wait3A_22] : memref<2x128xi32, #tpu.memory_space<vmem>> -> memref<1x128xi32, #tpu.memory_space<vmem>>
    %dma_wait3A_24 = tpu.memref_squeeze %dma_wait3A_23 : memref<1x128xi32, #tpu.memory_space<vmem>> -> memref<128xi32, #tpu.memory_space<vmem>>
    %dma_wait3A_25 = arith.constant 0 : i32
    %dma_wait3A_26 = arith.constant 0 : i32
    %dma_wait3A_27 = tpu.memref_slice %arg2[%dma_wait3A_25, %dma_wait3A_26] : memref<10000x128xf32, #tpu.memory_space<hbm>> -> memref<10000x128xf32, #tpu.memory_space<hbm>>
    tpu.wait_indirect_dma semaphore(%arg18 : memref<!tpu.dma_semaphore, #tpu.memory_space<semaphore_mem>>) src(%dma_wait3A_27 : memref<10000x128xf32, #tpu.memory_space<hbm>>) dst(%arg11 : memref<128x128xf32, #tpu.memory_space<vmem>>)
    %dma_start3A_28 = arith.constant 1 : i32
    %dma_start3A_29 = arith.constant 0 : i32
    %dma_start3A_30 = tpu.memref_slice %arg8[%dma_start3A_28, %dma_start3A_29] : memref<2x128xi32, #tpu.memory_space<vmem>> -> memref<1x128xi32, #tpu.memory_space<vmem>>
    %dma_start3A_31 = tpu.memref_squeeze %dma_start3A_30 : memref<1x128xi32, #tpu.memory_space<vmem>> -> memref<128xi32, #tpu.memory_space<vmem>>
    %dma_start3A_32 = arith.constant 0 : i32
    %dma_start3A_33 = arith.constant 0 : i32
    %dma_start3A_34 = tpu.memref_slice %arg12[%dma_start3A_32, %dma_start3A_33] : memref<10000x128xf32, #tpu.memory_space<vmem_shared>> -> memref<10000x128xf32, #tpu.memory_space<vmem_shared>>
    tpu.enqueue_indirect_dma source(%arg11 : memref<128x128xf32, #tpu.memory_space<vmem>>) target(%dma_start3A_34 : memref<10000x128xf32, #tpu.memory_space<vmem_shared>>) offsets(%dma_start3A_31 : memref<128xi32, #tpu.memory_space<vmem>>) semaphore(%arg21 : memref<!tpu.dma_semaphore, #tpu.memory_space<semaphore_mem>>) {add = true}
    %dma_wait3A_35 = arith.constant 1 : i32
    %dma_wait3A_36 = arith.constant 0 : i32
    %dma_wait3A_37 = tpu.memref_slice %arg7[%dma_wait3A_35, %dma_wait3A_36] : memref<2x128xi32, #tpu.memory_space<vmem>> -> memref<1x128xi32, #tpu.memory_space<vmem>>
    %dma_wait3A_38 = tpu.memref_squeeze %dma_wait3A_37 : memref<1x128xi32, #tpu.memory_space<vmem>> -> memref<128xi32, #tpu.memory_space<vmem>>
    %dma_wait3A_39 = arith.constant 0 : i32
    %dma_wait3A_40 = arith.constant 0 : i32
    %dma_wait3A_41 = tpu.memref_slice %arg12[%dma_wait3A_39, %dma_wait3A_40] : memref<10000x128xf32, #tpu.memory_space<vmem_shared>> -> memref<10000x128xf32, #tpu.memory_space<vmem_shared>>
    tpu.wait_indirect_dma semaphore(%arg20 : memref<!tpu.dma_semaphore, #tpu.memory_space<semaphore_mem>>) src(%arg10 : memref<128x128xf32, #tpu.memory_space<vmem>>) dst(%dma_wait3A_41 : memref<10000x128xf32, #tpu.memory_space<vmem_shared>>)
    %dma_wait3A_42 = arith.constant 1 : i32
    %dma_wait3A_43 = arith.constant 0 : i32
    %dma_wait3A_44 = tpu.memref_slice %arg8[%dma_wait3A_42, %dma_wait3A_43] : memref<2x128xi32, #tpu.memory_space<vmem>> -> memref<1x128xi32, #tpu.memory_space<vmem>>
    %dma_wait3A_45 = tpu.memref_squeeze %dma_wait3A_44 : memref<1x128xi32, #tpu.memory_space<vmem>> -> memref<128xi32, #tpu.memory_space<vmem>>
    %dma_wait3A_46 = arith.constant 0 : i32
    %dma_wait3A_47 = arith.constant 0 : i32
    %dma_wait3A_48 = tpu.memref_slice %arg12[%dma_wait3A_46, %dma_wait3A_47] : memref<10000x128xf32, #tpu.memory_space<vmem_shared>> -> memref<10000x128xf32, #tpu.memory_space<vmem_shared>>
    tpu.wait_indirect_dma semaphore(%arg21 : memref<!tpu.dma_semaphore, #tpu.memory_space<semaphore_mem>>) src(%arg11 : memref<128x128xf32, #tpu.memory_space<vmem>>) dst(%dma_wait3A_48 : memref<10000x128xf32, #tpu.memory_space<vmem_shared>>)
    %lt3A_49 = arith.constant 4 : i32
    %lt3A_50 = arith.cmpi slt, %add3A, %lt3A_49 : i32
    %convert_element_type3A_51 = arith.extui %lt3A_50 : i1 to i32
    %cond3A_52 = arith.constant 0 : i32
    %cond3A_53 = arith.cmpi ne, %convert_element_type3A_51, %cond3A_52 : i32
    scf.if %cond3A_53 {
      %add3A_60 = arith.constant 2496 : i32
      %add3A_61 = arith.addi %add3A_60, %add3A : i32
      %mul3A_62 = arith.constant 128 : i32
      %mul3A_63 = arith.muli %add3A_61, %mul3A_62 : i32
      %multiple_of3A_64 = tpu.assume_multiple %mul3A_63, 128 : i32
      "tpu.region"() ({
        %run_scoped3A_79 = tpu.sem_alloc : memref<!tpu.dma_semaphore, #tpu.memory_space<semaphore_mem>>
        %dma_start3A_80 = arith.constant 0 : i32
        %dma_start3A_81 = tpu.memref_slice %arg3[%dma_start3A_80, %multiple_of3A_64] : memref<2x320000xi32, #tpu.memory_space<hbm>> -> memref<2x128xi32, #tpu.memory_space<hbm>>
        %dma_start3A_82 = arith.constant 0 : i32
        %dma_start3A_83 = tpu.memref_slice %arg3[%dma_start3A_82, %multiple_of3A_64] : memref<2x320000xi32, #tpu.memory_space<hbm>> -> memref<2x128xi32, #tpu.memory_space<hbm>>
        tpu.enqueue_dma source(%dma_start3A_83 : memref<2x128xi32, #tpu.memory_space<hbm>>) target(%arg6 : memref<2x128xi32, #tpu.memory_space<vmem>>) target_semaphore(%run_scoped3A_79 : memref<!tpu.dma_semaphore, #tpu.memory_space<semaphore_mem>>)
        %dma_wait3A_84 = arith.constant 0 : i32
        %dma_wait3A_85 = tpu.memref_slice %arg3[%dma_wait3A_84, %multiple_of3A_64] : memref<2x320000xi32, #tpu.memory_space<hbm>> -> memref<2x128xi32, #tpu.memory_space<hbm>>
        %dma_wait3A_86 = arith.constant 0 : i32
        %dma_wait3A_87 = tpu.memref_slice %arg3[%dma_wait3A_86, %multiple_of3A_64] : memref<2x320000xi32, #tpu.memory_space<hbm>> -> memref<2x128xi32, #tpu.memory_space<hbm>>
        tpu.wait_dma2 semaphore(%run_scoped3A_79 : memref<!tpu.dma_semaphore, #tpu.memory_space<semaphore_mem>>) src(%dma_wait3A_87 : memref<2x128xi32, #tpu.memory_space<hbm>>) dst(%arg6 : memref<2x128xi32, #tpu.memory_space<vmem>>)
        tpu.yield
      }) : () -> ()
      %dma_start3A_65 = arith.constant 0 : i32
      %dma_start3A_66 = arith.constant 0 : i32
      %dma_start3A_67 = tpu.memref_slice %arg6[%dma_start3A_65, %dma_start3A_66] : memref<2x128xi32, #tpu.memory_space<vmem>> -> memref<1x128xi32, #tpu.memory_space<vmem>>
      %dma_start3A_68 = tpu.memref_squeeze %dma_start3A_67 : memref<1x128xi32, #tpu.memory_space<vmem>> -> memref<128xi32, #tpu.memory_space<vmem>>
      %dma_start3A_69 = arith.constant 0 : i32
      %dma_start3A_70 = arith.constant 0 : i32
      %dma_start3A_71 = tpu.memref_slice %arg2[%dma_start3A_69, %dma_start3A_70] : memref<10000x128xf32, #tpu.memory_space<hbm>> -> memref<10000x128xf32, #tpu.memory_space<hbm>>
      tpu.enqueue_indirect_dma source(%dma_start3A_71 : memref<10000x128xf32, #tpu.memory_space<hbm>>) target(%arg9 : memref<128x128xf32, #tpu.memory_space<vmem>>) offsets(%dma_start3A_68 : memref<128xi32, #tpu.memory_space<vmem>>) semaphore(%arg16 : memref<!tpu.dma_semaphore, #tpu.memory_space<semaphore_mem>>)
      %dma_wait3A_72 = arith.constant 0 : i32
      %dma_wait3A_73 = arith.constant 0 : i32
      %dma_wait3A_74 = tpu.memref_slice %arg6[%dma_wait3A_72, %dma_wait3A_73] : memref<2x128xi32, #tpu.memory_space<vmem>> -> memref<1x128xi32, #tpu.memory_space<vmem>>
      %dma_wait3A_75 = tpu.memref_squeeze %dma_wait3A_74 : memref<1x128xi32, #tpu.memory_space<vmem>> -> memref<128xi32, #tpu.memory_space<vmem>>
      %dma_wait3A_76 = arith.constant 0 : i32
      %dma_wait3A_77 = arith.constant 0 : i32
      %dma_wait3A_78 = tpu.memref_slice %arg2[%dma_wait3A_76, %dma_wait3A_77] : memref<10000x128xf32, #tpu.memory_space<hbm>> -> memref<10000x128xf32, #tpu.memory_space<hbm>>
      tpu.wait_indirect_dma semaphore(%arg16 : memref<!tpu.dma_semaphore, #tpu.memory_space<semaphore_mem>>) src(%dma_wait3A_78 : memref<10000x128xf32, #tpu.memory_space<hbm>>) dst(%arg9 : memref<128x128xf32, #tpu.memory_space<vmem>>)
      %run_scoped3A = arith.constant 1 : i32
      "tpu.region"() ({
        %run_scoped3A_79 = tpu.sem_alloc : memref<!tpu.dma_semaphore, #tpu.memory_space<semaphore_mem>>
        %dma_start3A_80 = arith.constant 0 : i32
        %dma_start3A_81 = tpu.memref_slice %arg6[%run_scoped3A, %dma_start3A_80] : memref<2x128xi32, #tpu.memory_space<vmem>> -> memref<1x128xi32, #tpu.memory_space<vmem>>
        %dma_start3A_82 = tpu.memref_squeeze %dma_start3A_81 : memref<1x128xi32, #tpu.memory_space<vmem>> -> memref<128xi32, #tpu.memory_space<vmem>>
        %dma_start3A_83 = arith.constant 0 : i32
        %dma_start3A_84 = arith.constant 0 : i32
        %dma_start3A_85 = tpu.memref_slice %arg12[%dma_start3A_83, %dma_start3A_84] : memref<10000x128xf32, #tpu.memory_space<vmem_shared>> -> memref<10000x128xf32, #tpu.memory_space<vmem_shared>>
        tpu.enqueue_indirect_dma source(%arg9 : memref<128x128xf32, #tpu.memory_space<vmem>>) target(%dma_start3A_85 : memref<10000x128xf32, #tpu.memory_space<vmem_shared>>) offsets(%dma_start3A_82 : memref<128xi32, #tpu.memory_space<vmem>>) semaphore(%run_scoped3A_79 : memref<!tpu.dma_semaphore, #tpu.memory_space<semaphore_mem>>) {add = true}
        %dma_wait3A_86 = arith.constant 0 : i32
        %dma_wait3A_87 = tpu.memref_slice %arg6[%run_scoped3A, %dma_wait3A_86] : memref<2x128xi32, #tpu.memory_space<vmem>> -> memref<1x128xi32, #tpu.memory_space<vmem>>
        %dma_wait3A_88 = tpu.memref_squeeze %dma_wait3A_87 : memref<1x128xi32, #tpu.memory_space<vmem>> -> memref<128xi32, #tpu.memory_space<vmem>>
        %dma_wait3A_89 = arith.constant 0 : i32
        %dma_wait3A_90 = arith.constant 0 : i32
        %dma_wait3A_91 = tpu.memref_slice %arg12[%dma_wait3A_89, %dma_wait3A_90] : memref<10000x128xf32, #tpu.memory_space<vmem_shared>> -> memref<10000x128xf32, #tpu.memory_space<vmem_shared>>
        tpu.wait_indirect_dma semaphore(%run_scoped3A_79 : memref<!tpu.dma_semaphore, #tpu.memory_space<semaphore_mem>>) src(%arg9 : memref<128x128xf32, #tpu.memory_space<vmem>>) dst(%dma_wait3A_91 : memref<10000x128xf32, #tpu.memory_space<vmem_shared>>)
        tpu.yield
      }) : () -> ()
    } else {
    }
    %barrier3A_54 = arith.constant 0 : index
    tpu.barrier barrier_id(%barrier3A_54)
    "tpu.region"() ({
      %run_scoped3A = tpu.sem_alloc : memref<!tpu.dma_semaphore, #tpu.memory_space<semaphore_mem>>
      %dma_start3A_60 = arith.constant 0 : i32
      %dma_start3A_61 = arith.constant 0 : i32
      %dma_start3A_62 = tpu.memref_slice %arg5[%arg0, %dma_start3A_60, %dma_start3A_61] : memref<2x10000x128xf32, #tpu.memory_space<hbm>> -> memref<1x10000x128xf32, #tpu.memory_space<hbm>>
      %dma_start3A_63 = tpu.memref_squeeze %dma_start3A_62 : memref<1x10000x128xf32, #tpu.memory_space<hbm>> -> memref<10000x128xf32, #tpu.memory_space<hbm>>
      %dma_start3A_64 = arith.constant 0 : i32
      %dma_start3A_65 = tpu.memref_slice %dma_start3A_63[%multiple_of3A, %dma_start3A_64] : memref<10000x128xf32, #tpu.memory_space<hbm>> -> memref<624x128xf32, #tpu.memory_space<hbm>>
      %dma_start3A_66 = arith.constant 0 : i32
      %dma_start3A_67 = tpu.memref_slice %arg12[%multiple_of3A, %dma_start3A_66] : memref<10000x128xf32, #tpu.memory_space<vmem_shared>> -> memref<624x128xf32, #tpu.memory_space<vmem_shared>>
      tpu.enqueue_dma source(%dma_start3A_67 : memref<624x128xf32, #tpu.memory_space<vmem_shared>>) target(%dma_start3A_65 : memref<624x128xf32, #tpu.memory_space<hbm>>) target_semaphore(%run_scoped3A : memref<!tpu.dma_semaphore, #tpu.memory_space<semaphore_mem>>)
      %dma_wait3A_68 = arith.constant 0 : i32
      %dma_wait3A_69 = arith.constant 0 : i32
      %dma_wait3A_70 = tpu.memref_slice %arg5[%arg0, %dma_wait3A_68, %dma_wait3A_69] : memref<2x10000x128xf32, #tpu.memory_space<hbm>> -> memref<1x10000x128xf32, #tpu.memory_space<hbm>>
      %dma_wait3A_71 = tpu.memref_squeeze %dma_wait3A_70 : memref<1x10000x128xf32, #tpu.memory_space<hbm>> -> memref<10000x128xf32, #tpu.memory_space<hbm>>
      %dma_wait3A_72 = arith.constant 0 : i32
      %dma_wait3A_73 = tpu.memref_slice %dma_wait3A_71[%multiple_of3A, %dma_wait3A_72] : memref<10000x128xf32, #tpu.memory_space<hbm>> -> memref<624x128xf32, #tpu.memory_space<hbm>>
      %dma_wait3A_74 = arith.constant 0 : i32
      %dma_wait3A_75 = tpu.memref_slice %arg12[%multiple_of3A, %dma_wait3A_74] : memref<10000x128xf32, #tpu.memory_space<vmem_shared>> -> memref<624x128xf32, #tpu.memory_space<vmem_shared>>
      tpu.wait_dma2 semaphore(%run_scoped3A : memref<!tpu.dma_semaphore, #tpu.memory_space<semaphore_mem>>) src(%dma_wait3A_75 : memref<624x128xf32, #tpu.memory_space<vmem_shared>>) dst(%dma_wait3A_73 : memref<624x128xf32, #tpu.memory_space<hbm>>)
      tpu.yield
    }) : () -> ()
    %lt3A_55 = arith.constant 2 : i32
    %lt3A_56 = arith.cmpi slt, %arg1, %lt3A_55 : i32
    %convert_element_type3A_57 = arith.extui %lt3A_56 : i1 to i32
    %cond3A_58 = arith.constant 0 : i32
    %cond3A_59 = arith.cmpi ne, %convert_element_type3A_57, %cond3A_58 : i32
    scf.if %cond3A_59 {
      %add3A_60 = arith.constant 624 : i32
      %add3A_61 = arith.addi %multiple_of3A, %add3A_60 : i32
      %multiple_of3A_62 = tpu.assume_multiple %add3A_61, 8 : i32
      "tpu.region"() ({
        %run_scoped3A = tpu.sem_alloc : memref<!tpu.dma_semaphore, #tpu.memory_space<semaphore_mem>>
        %dma_start3A_63 = arith.constant 0 : i32
        %dma_start3A_64 = arith.constant 0 : i32
        %dma_start3A_65 = tpu.memref_slice %arg5[%arg0, %dma_start3A_63, %dma_start3A_64] : memref<2x10000x128xf32, #tpu.memory_space<hbm>> -> memref<1x10000x128xf32, #tpu.memory_space<hbm>>
        %dma_start3A_66 = tpu.memref_squeeze %dma_start3A_65 : memref<1x10000x128xf32, #tpu.memory_space<hbm>> -> memref<10000x128xf32, #tpu.memory_space<hbm>>
        %dma_start3A_67 = arith.constant 0 : i32
        %dma_start3A_68 = tpu.memref_slice %dma_start3A_66[%multiple_of3A_62, %dma_start3A_67] : memref<10000x128xf32, #tpu.memory_space<hbm>> -> memref<8x128xf32, #tpu.memory_space<hbm>>
        %dma_start3A_69 = arith.constant 0 : i32
        %dma_start3A_70 = tpu.memref_slice %arg12[%multiple_of3A_62, %dma_start3A_69] : memref<10000x128xf32, #tpu.memory_space<vmem_shared>> -> memref<8x128xf32, #tpu.memory_space<vmem_shared>>
        tpu.enqueue_dma source(%dma_start3A_70 : memref<8x128xf32, #tpu.memory_space<vmem_shared>>) target(%dma_start3A_68 : memref<8x128xf32, #tpu.memory_space<hbm>>) target_semaphore(%run_scoped3A : memref<!tpu.dma_semaphore, #tpu.memory_space<semaphore_mem>>)
        %dma_wait3A_71 = arith.constant 0 : i32
        %dma_wait3A_72 = arith.constant 0 : i32
        %dma_wait3A_73 = tpu.memref_slice %arg5[%arg0, %dma_wait3A_71, %dma_wait3A_72] : memref<2x10000x128xf32, #tpu.memory_space<hbm>> -> memref<1x10000x128xf32, #tpu.memory_space<hbm>>
        %dma_wait3A_74 = tpu.memref_squeeze %dma_wait3A_73 : memref<1x10000x128xf32, #tpu.memory_space<hbm>> -> memref<10000x128xf32, #tpu.memory_space<hbm>>
        %dma_wait3A_75 = arith.constant 0 : i32
        %dma_wait3A_76 = tpu.memref_slice %dma_wait3A_74[%multiple_of3A_62, %dma_wait3A_75] : memref<10000x128xf32, #tpu.memory_space<hbm>> -> memref<8x128xf32, #tpu.memory_space<hbm>>
        %dma_wait3A_77 = arith.constant 0 : i32
        %dma_wait3A_78 = tpu.memref_slice %arg12[%multiple_of3A_62, %dma_wait3A_77] : memref<10000x128xf32, #tpu.memory_space<vmem_shared>> -> memref<8x128xf32, #tpu.memory_space<vmem_shared>>
        tpu.wait_dma2 semaphore(%run_scoped3A : memref<!tpu.dma_semaphore, #tpu.memory_space<semaphore_mem>>) src(%dma_wait3A_78 : memref<8x128xf32, #tpu.memory_space<vmem_shared>>) dst(%dma_wait3A_76 : memref<8x128xf32, #tpu.memory_space<hbm>>)
        tpu.yield
      }) : () -> ()
    } else {
    }
    return
  }
}

#map = affine_map<(d0, d1) -> (0, 0)>
#map1 = affine_map<(d0, d1) -> (0, 0, 0)>
module attributes {stable_mosaic.version = 14 : i64} {
  func.func @seg(%arg0: i32, %arg1: i32, %arg2: memref<10000x128xf32, #tpu.memory_space<hbm>>, %arg3: memref<2x320000xi32, #tpu.memory_space<hbm>>, %arg4: memref<10000x128xf32, #tpu.memory_space<hbm>>, %arg5: memref<2x10000x128xf32, #tpu.memory_space<hbm>>, %arg6: memref<2x128xi32, #tpu.memory_space<vmem>>, %arg7: memref<2x128xi32, #tpu.memory_space<vmem>>, %arg8: memref<2x128xi32, #tpu.memory_space<vmem>>, %arg9: memref<128x128xf32, #tpu.memory_space<vmem>>, %arg10: memref<128x128xf32, #tpu.memory_space<vmem>>, %arg11: memref<128x128xf32, #tpu.memory_space<vmem>>, %arg12: memref<10000x128xf32, #tpu.memory_space<vmem_shared>>, %arg13: memref<!tpu.dma_semaphore, #tpu.memory_space<semaphore_mem>>, %arg14: memref<!tpu.dma_semaphore, #tpu.memory_space<semaphore_mem>>, %arg15: memref<!tpu.dma_semaphore, #tpu.memory_space<semaphore_mem>>, %arg16: memref<!tpu.dma_semaphore, #tpu.memory_space<semaphore_mem>>, %arg17: memref<!tpu.dma_semaphore, #tpu.memory_space<semaphore_mem>>, %arg18: memref<!tpu.dma_semaphore, #tpu.memory_space<semaphore_mem>>, %arg19: memref<!tpu.dma_semaphore, #tpu.memory_space<semaphore_mem>>, %arg20: memref<!tpu.dma_semaphore, #tpu.memory_space<semaphore_mem>>, %arg21: memref<!tpu.dma_semaphore, #tpu.memory_space<semaphore_mem>>) attributes {dimension_semantics = [#tpu.dimension_semantics<core_parallel>, #tpu.dimension_semantics<subcore_parallel>], iteration_bounds = array<i64: 2, 16>, scalar_prefetch = 0 : i64, scratch_operands = 16 : i64, tpu.core_type = #tpu.core_type<sc_vector_subcore>, window_params = [{transform_indices = #map}, {transform_indices = #map}, {transform_indices = #map}, {transform_indices = #map1}]} {
    %mul3A = arith.constant 2 : i32
    %mul3A_0 = arith.muli %arg1, %mul3A : i32
    %add3A = arith.addi %mul3A_0, %arg0 : i32
    %mul3A_1 = arith.constant 624 : i32
    %mul3A_2 = arith.muli %arg1, %mul3A_1 : i32
    %min3A = arith.constant 2 : i32
    %min3A_3 = arith.minsi %arg1, %min3A : i32
    %mul3A_4 = arith.constant 8 : i32
    %mul3A_5 = arith.muli %min3A_3, %mul3A_4 : i32
    %add3A_6 = arith.addi %mul3A_2, %mul3A_5 : i32
    %multiple_of3A = tpu.assume_multiple %add3A_6, 8 : i32
    %mul3A_7 = arith.constant 78 : i32
    %mul3A_8 = arith.muli %add3A, %mul3A_7 : i32
    %mul3A_9 = arith.constant 128 : i32
    %mul3A_10 = arith.muli %mul3A_8, %mul3A_9 : i32
    %multiple_of3A_11 = tpu.assume_multiple %mul3A_10, 128 : i32
    %dma_start3A = arith.constant 0 : i32
    %dma_start3A_12 = tpu.memref_slice %arg3[%dma_start3A, %multiple_of3A_11] : memref<2x320000xi32, #tpu.memory_space<hbm>> -> memref<2x128xi32, #tpu.memory_space<hbm>>
    %dma_start3A_13 = arith.constant 0 : i32
    %dma_start3A_14 = tpu.memref_slice %arg3[%dma_start3A_13, %multiple_of3A_11] : memref<2x320000xi32, #tpu.memory_space<hbm>> -> memref<2x128xi32, #tpu.memory_space<hbm>>
    tpu.enqueue_dma source(%dma_start3A_14 : memref<2x128xi32, #tpu.memory_space<hbm>>) target(%arg6 : memref<2x128xi32, #tpu.memory_space<vmem>>) target_semaphore(%arg13 : memref<!tpu.dma_semaphore, #tpu.memory_space<semaphore_mem>>)
    "tpu.region"() ({
      %run_scoped3A = tpu.sem_alloc : memref<!tpu.dma_semaphore, #tpu.memory_space<semaphore_mem>>
      %dma_start3A_60 = arith.constant 0 : i32
      %dma_start3A_61 = tpu.memref_slice %arg12[%multiple_of3A, %dma_start3A_60] : memref<10000x128xf32, #tpu.memory_space<vmem_shared>> -> memref<624x128xf32, #tpu.memory_space<vmem_shared>>
      %dma_start3A_62 = arith.constant 0 : i32
      %dma_start3A_63 = tpu.memref_slice %arg4[%multiple_of3A, %dma_start3A_62] : memref<10000x128xf32, #tpu.memory_space<hbm>> -> memref<624x128xf32, #tpu.memory_space<hbm>>
      tpu.enqueue_dma source(%dma_start3A_63 : memref<624x128xf32, #tpu.memory_space<hbm>>) target(%dma_start3A_61 : memref<624x128xf32, #tpu.memory_space<vmem_shared>>) target_semaphore(%run_scoped3A : memref<!tpu.dma_semaphore, #tpu.memory_space<semaphore_mem>>)
      %dma_wait3A_64 = arith.constant 0 : i32
      %dma_wait3A_65 = tpu.memref_slice %arg12[%multiple_of3A, %dma_wait3A_64] : memref<10000x128xf32, #tpu.memory_space<vmem_shared>> -> memref<624x128xf32, #tpu.memory_space<vmem_shared>>
      %dma_wait3A_66 = arith.constant 0 : i32
      %dma_wait3A_67 = tpu.memref_slice %arg4[%multiple_of3A, %dma_wait3A_66] : memref<10000x128xf32, #tpu.memory_space<hbm>> -> memref<624x128xf32, #tpu.memory_space<hbm>>
      tpu.wait_dma2 semaphore(%run_scoped3A : memref<!tpu.dma_semaphore, #tpu.memory_space<semaphore_mem>>) src(%dma_wait3A_67 : memref<624x128xf32, #tpu.memory_space<hbm>>) dst(%dma_wait3A_65 : memref<624x128xf32, #tpu.memory_space<vmem_shared>>)
      tpu.yield
    }) : () -> ()
    %lt3A = arith.constant 2 : i32
    %lt3A_15 = arith.cmpi slt, %arg1, %lt3A : i32
    %convert_element_type3A = arith.extui %lt3A_15 : i1 to i32
    %cond3A = arith.constant 0 : i32
    %cond3A_16 = arith.cmpi ne, %convert_element_type3A, %cond3A : i32
    scf.if %cond3A_16 {
      %add3A_60 = arith.constant 624 : i32
      %add3A_61 = arith.addi %multiple_of3A, %add3A_60 : i32
      %multiple_of3A_62 = tpu.assume_multiple %add3A_61, 8 : i32
      "tpu.region"() ({
        %run_scoped3A = tpu.sem_alloc : memref<!tpu.dma_semaphore, #tpu.memory_space<semaphore_mem>>
        %dma_start3A_63 = arith.constant 0 : i32
        %dma_start3A_64 = tpu.memref_slice %arg12[%multiple_of3A_62, %dma_start3A_63] : memref<10000x128xf32, #tpu.memory_space<vmem_shared>> -> memref<8x128xf32, #tpu.memory_space<vmem_shared>>
        %dma_start3A_65 = arith.constant 0 : i32
        %dma_start3A_66 = tpu.memref_slice %arg4[%multiple_of3A_62, %dma_start3A_65] : memref<10000x128xf32, #tpu.memory_space<hbm>> -> memref<8x128xf32, #tpu.memory_space<hbm>>
        tpu.enqueue_dma source(%dma_start3A_66 : memref<8x128xf32, #tpu.memory_space<hbm>>) target(%dma_start3A_64 : memref<8x128xf32, #tpu.memory_space<vmem_shared>>) target_semaphore(%run_scoped3A : memref<!tpu.dma_semaphore, #tpu.memory_space<semaphore_mem>>)
        %dma_wait3A_67 = arith.constant 0 : i32
        %dma_wait3A_68 = tpu.memref_slice %arg12[%multiple_of3A_62, %dma_wait3A_67] : memref<10000x128xf32, #tpu.memory_space<vmem_shared>> -> memref<8x128xf32, #tpu.memory_space<vmem_shared>>
        %dma_wait3A_69 = arith.constant 0 : i32
        %dma_wait3A_70 = tpu.memref_slice %arg4[%multiple_of3A_62, %dma_wait3A_69] : memref<10000x128xf32, #tpu.memory_space<hbm>> -> memref<8x128xf32, #tpu.memory_space<hbm>>
        tpu.wait_dma2 semaphore(%run_scoped3A : memref<!tpu.dma_semaphore, #tpu.memory_space<semaphore_mem>>) src(%dma_wait3A_70 : memref<8x128xf32, #tpu.memory_space<hbm>>) dst(%dma_wait3A_68 : memref<8x128xf32, #tpu.memory_space<vmem_shared>>)
        tpu.yield
      }) : () -> ()
    } else {
    }
    %barrier3A = arith.constant 0 : index
    tpu.barrier barrier_id(%barrier3A)
    %scan3A = arith.constant 0 : i32
    %scan3A_17 = arith.constant 0 : i32
    %scan3A_18 = arith.constant 26 : i32
    %scan3A_19 = arith.addi %scan3A_17, %scan3A_18 : i32
    %scan3A_20 = arith.constant 1 : i32
    scf.for %scan3A_60 = %scan3A_17 to %scan3A_19 step %scan3A_20  : i32 {
      %mul3A_61 = arith.constant 3 : i32
      %mul3A_62 = arith.muli %mul3A_61, %scan3A_60 : i32
      %add3A_63 = arith.addi %mul3A_8, %mul3A_62 : i32
      %dma_wait3A_64 = arith.constant 0 : i32
      %dma_wait3A_65 = arith.constant 0 : i32
      %dma_wait3A_66 = tpu.memref_slice %arg3[%dma_wait3A_64, %dma_wait3A_65] : memref<2x320000xi32, #tpu.memory_space<hbm>> -> memref<2x128xi32, #tpu.memory_space<hbm>>
      %dma_wait3A_67 = arith.constant 0 : i32
      %dma_wait3A_68 = arith.constant 0 : i32
      %dma_wait3A_69 = tpu.memref_slice %arg3[%dma_wait3A_67, %dma_wait3A_68] : memref<2x320000xi32, #tpu.memory_space<hbm>> -> memref<2x128xi32, #tpu.memory_space<hbm>>
      tpu.wait_dma2 semaphore(%arg13 : memref<!tpu.dma_semaphore, #tpu.memory_space<semaphore_mem>>) src(%dma_wait3A_69 : memref<2x128xi32, #tpu.memory_space<hbm>>) dst(%arg6 : memref<2x128xi32, #tpu.memory_space<vmem>>)
      %dma_start3A_70 = arith.constant 0 : i32
      %dma_start3A_71 = arith.constant 0 : i32
      %dma_start3A_72 = tpu.memref_slice %arg6[%dma_start3A_70, %dma_start3A_71] : memref<2x128xi32, #tpu.memory_space<vmem>> -> memref<1x128xi32, #tpu.memory_space<vmem>>
      %dma_start3A_73 = tpu.memref_squeeze %dma_start3A_72 : memref<1x128xi32, #tpu.memory_space<vmem>> -> memref<128xi32, #tpu.memory_space<vmem>>
      %dma_start3A_74 = arith.constant 0 : i32
      %dma_start3A_75 = arith.constant 0 : i32
      %dma_start3A_76 = tpu.memref_slice %arg2[%dma_start3A_74, %dma_start3A_75] : memref<10000x128xf32, #tpu.memory_space<hbm>> -> memref<10000x128xf32, #tpu.memory_space<hbm>>
      tpu.enqueue_indirect_dma source(%dma_start3A_76 : memref<10000x128xf32, #tpu.memory_space<hbm>>) target(%arg9 : memref<128x128xf32, #tpu.memory_space<vmem>>) offsets(%dma_start3A_73 : memref<128xi32, #tpu.memory_space<vmem>>) semaphore(%arg16 : memref<!tpu.dma_semaphore, #tpu.memory_space<semaphore_mem>>)
      %gt3A = arith.constant 0 : i32
      %gt3A_77 = arith.cmpi sgt, %scan3A_60, %gt3A : i32
      %convert_element_type3A_78 = arith.extui %gt3A_77 : i1 to i32
      %cond3A_79 = arith.constant 0 : i32
      %cond3A_80 = arith.cmpi ne, %convert_element_type3A_78, %cond3A_79 : i32
      scf.if %cond3A_80 {
        %dma_wait3A_179 = arith.constant 1 : i32
        %dma_wait3A_180 = arith.constant 0 : i32
        %dma_wait3A_181 = tpu.memref_slice %arg7[%dma_wait3A_179, %dma_wait3A_180] : memref<2x128xi32, #tpu.memory_space<vmem>> -> memref<1x128xi32, #tpu.memory_space<vmem>>
        %dma_wait3A_182 = tpu.memref_squeeze %dma_wait3A_181 : memref<1x128xi32, #tpu.memory_space<vmem>> -> memref<128xi32, #tpu.memory_space<vmem>>
        %dma_wait3A_183 = arith.constant 0 : i32
        %dma_wait3A_184 = arith.constant 0 : i32
        %dma_wait3A_185 = tpu.memref_slice %arg12[%dma_wait3A_183, %dma_wait3A_184] : memref<10000x128xf32, #tpu.memory_space<vmem_shared>> -> memref<10000x128xf32, #tpu.memory_space<vmem_shared>>
        tpu.wait_indirect_dma semaphore(%arg20 : memref<!tpu.dma_semaphore, #tpu.memory_space<semaphore_mem>>) src(%arg10 : memref<128x128xf32, #tpu.memory_space<vmem>>) dst(%dma_wait3A_185 : memref<10000x128xf32, #tpu.memory_space<vmem_shared>>)
      } else {
      }
      %add3A_81 = arith.constant 0 : i32
      %add3A_82 = arith.addi %add3A_63, %add3A_81 : i32
      %add3A_83 = arith.constant 1 : i32
      %add3A_84 = arith.addi %add3A_82, %add3A_83 : i32
      %mul3A_85 = arith.constant 128 : i32
      %mul3A_86 = arith.muli %add3A_84, %mul3A_85 : i32
      %multiple_of3A_87 = tpu.assume_multiple %mul3A_86, 128 : i32
      %dma_start3A_88 = arith.constant 0 : i32
      %dma_start3A_89 = tpu.memref_slice %arg3[%dma_start3A_88, %multiple_of3A_87] : memref<2x320000xi32, #tpu.memory_space<hbm>> -> memref<2x128xi32, #tpu.memory_space<hbm>>
      %dma_start3A_90 = arith.constant 0 : i32
      %dma_start3A_91 = tpu.memref_slice %arg3[%dma_start3A_90, %multiple_of3A_87] : memref<2x320000xi32, #tpu.memory_space<hbm>> -> memref<2x128xi32, #tpu.memory_space<hbm>>
      tpu.enqueue_dma source(%dma_start3A_91 : memref<2x128xi32, #tpu.memory_space<hbm>>) target(%arg7 : memref<2x128xi32, #tpu.memory_space<vmem>>) target_semaphore(%arg14 : memref<!tpu.dma_semaphore, #tpu.memory_space<semaphore_mem>>)
      %gt3A_92 = arith.constant 0 : i32
      %gt3A_93 = arith.cmpi sgt, %scan3A_60, %gt3A_92 : i32
      %convert_element_type3A_94 = arith.extui %gt3A_93 : i1 to i32
      %cond3A_95 = arith.constant 0 : i32
      %cond3A_96 = arith.cmpi ne, %convert_element_type3A_94, %cond3A_95 : i32
      scf.if %cond3A_96 {
        %dma_wait3A_179 = arith.constant 0 : i32
        %dma_wait3A_180 = arith.constant 0 : i32
        %dma_wait3A_181 = tpu.memref_slice %arg8[%dma_wait3A_179, %dma_wait3A_180] : memref<2x128xi32, #tpu.memory_space<vmem>> -> memref<1x128xi32, #tpu.memory_space<vmem>>
        %dma_wait3A_182 = tpu.memref_squeeze %dma_wait3A_181 : memref<1x128xi32, #tpu.memory_space<vmem>> -> memref<128xi32, #tpu.memory_space<vmem>>
        %dma_wait3A_183 = arith.constant 0 : i32
        %dma_wait3A_184 = arith.constant 0 : i32
        %dma_wait3A_185 = tpu.memref_slice %arg2[%dma_wait3A_183, %dma_wait3A_184] : memref<10000x128xf32, #tpu.memory_space<hbm>> -> memref<10000x128xf32, #tpu.memory_space<hbm>>
        tpu.wait_indirect_dma semaphore(%arg18 : memref<!tpu.dma_semaphore, #tpu.memory_space<semaphore_mem>>) src(%dma_wait3A_185 : memref<10000x128xf32, #tpu.memory_space<hbm>>) dst(%arg11 : memref<128x128xf32, #tpu.memory_space<vmem>>)
        %dma_start3A_186 = arith.constant 1 : i32
        %dma_start3A_187 = arith.constant 0 : i32
        %dma_start3A_188 = tpu.memref_slice %arg8[%dma_start3A_186, %dma_start3A_187] : memref<2x128xi32, #tpu.memory_space<vmem>> -> memref<1x128xi32, #tpu.memory_space<vmem>>
        %dma_start3A_189 = tpu.memref_squeeze %dma_start3A_188 : memref<1x128xi32, #tpu.memory_space<vmem>> -> memref<128xi32, #tpu.memory_space<vmem>>
        %dma_start3A_190 = arith.constant 0 : i32
        %dma_start3A_191 = arith.constant 0 : i32
        %dma_start3A_192 = tpu.memref_slice %arg12[%dma_start3A_190, %dma_start3A_191] : memref<10000x128xf32, #tpu.memory_space<vmem_shared>> -> memref<10000x128xf32, #tpu.memory_space<vmem_shared>>
        tpu.enqueue_indirect_dma source(%arg11 : memref<128x128xf32, #tpu.memory_space<vmem>>) target(%dma_start3A_192 : memref<10000x128xf32, #tpu.memory_space<vmem_shared>>) offsets(%dma_start3A_189 : memref<128xi32, #tpu.memory_space<vmem>>) semaphore(%arg21 : memref<!tpu.dma_semaphore, #tpu.memory_space<semaphore_mem>>) {add = true}
      } else {
      }
      %dma_wait3A_97 = arith.constant 0 : i32
      %dma_wait3A_98 = arith.constant 0 : i32
      %dma_wait3A_99 = tpu.memref_slice %arg3[%dma_wait3A_97, %dma_wait3A_98] : memref<2x320000xi32, #tpu.memory_space<hbm>> -> memref<2x128xi32, #tpu.memory_space<hbm>>
      %dma_wait3A_100 = arith.constant 0 : i32
      %dma_wait3A_101 = arith.constant 0 : i32
      %dma_wait3A_102 = tpu.memref_slice %arg3[%dma_wait3A_100, %dma_wait3A_101] : memref<2x320000xi32, #tpu.memory_space<hbm>> -> memref<2x128xi32, #tpu.memory_space<hbm>>
      tpu.wait_dma2 semaphore(%arg14 : memref<!tpu.dma_semaphore, #tpu.memory_space<semaphore_mem>>) src(%dma_wait3A_102 : memref<2x128xi32, #tpu.memory_space<hbm>>) dst(%arg7 : memref<2x128xi32, #tpu.memory_space<vmem>>)
      %dma_start3A_103 = arith.constant 0 : i32
      %dma_start3A_104 = arith.constant 0 : i32
      %dma_start3A_105 = tpu.memref_slice %arg7[%dma_start3A_103, %dma_start3A_104] : memref<2x128xi32, #tpu.memory_space<vmem>> -> memref<1x128xi32, #tpu.memory_space<vmem>>
      %dma_start3A_106 = tpu.memref_squeeze %dma_start3A_105 : memref<1x128xi32, #tpu.memory_space<vmem>> -> memref<128xi32, #tpu.memory_space<vmem>>
      %dma_start3A_107 = arith.constant 0 : i32
      %dma_start3A_108 = arith.constant 0 : i32
      %dma_start3A_109 = tpu.memref_slice %arg2[%dma_start3A_107, %dma_start3A_108] : memref<10000x128xf32, #tpu.memory_space<hbm>> -> memref<10000x128xf32, #tpu.memory_space<hbm>>
      tpu.enqueue_indirect_dma source(%dma_start3A_109 : memref<10000x128xf32, #tpu.memory_space<hbm>>) target(%arg10 : memref<128x128xf32, #tpu.memory_space<vmem>>) offsets(%dma_start3A_106 : memref<128xi32, #tpu.memory_space<vmem>>) semaphore(%arg17 : memref<!tpu.dma_semaphore, #tpu.memory_space<semaphore_mem>>)
      %gt3A_110 = arith.constant 0 : i32
      %gt3A_111 = arith.cmpi sgt, %scan3A_60, %gt3A_110 : i32
      %convert_element_type3A_112 = arith.extui %gt3A_111 : i1 to i32
      %cond3A_113 = arith.constant 0 : i32
      %cond3A_114 = arith.cmpi ne, %convert_element_type3A_112, %cond3A_113 : i32
      scf.if %cond3A_114 {
        %dma_wait3A_179 = arith.constant 1 : i32
        %dma_wait3A_180 = arith.constant 0 : i32
        %dma_wait3A_181 = tpu.memref_slice %arg8[%dma_wait3A_179, %dma_wait3A_180] : memref<2x128xi32, #tpu.memory_space<vmem>> -> memref<1x128xi32, #tpu.memory_space<vmem>>
        %dma_wait3A_182 = tpu.memref_squeeze %dma_wait3A_181 : memref<1x128xi32, #tpu.memory_space<vmem>> -> memref<128xi32, #tpu.memory_space<vmem>>
        %dma_wait3A_183 = arith.constant 0 : i32
        %dma_wait3A_184 = arith.constant 0 : i32
        %dma_wait3A_185 = tpu.memref_slice %arg12[%dma_wait3A_183, %dma_wait3A_184] : memref<10000x128xf32, #tpu.memory_space<vmem_shared>> -> memref<10000x128xf32, #tpu.memory_space<vmem_shared>>
        tpu.wait_indirect_dma semaphore(%arg21 : memref<!tpu.dma_semaphore, #tpu.memory_space<semaphore_mem>>) src(%arg11 : memref<128x128xf32, #tpu.memory_space<vmem>>) dst(%dma_wait3A_185 : memref<10000x128xf32, #tpu.memory_space<vmem_shared>>)
      } else {
      }
      %add3A_115 = arith.constant 1 : i32
      %add3A_116 = arith.addi %add3A_63, %add3A_115 : i32
      %add3A_117 = arith.constant 1 : i32
      %add3A_118 = arith.addi %add3A_116, %add3A_117 : i32
      %mul3A_119 = arith.constant 128 : i32
      %mul3A_120 = arith.muli %add3A_118, %mul3A_119 : i32
      %multiple_of3A_121 = tpu.assume_multiple %mul3A_120, 128 : i32
      %dma_start3A_122 = arith.constant 0 : i32
      %dma_start3A_123 = tpu.memref_slice %arg3[%dma_start3A_122, %multiple_of3A_121] : memref<2x320000xi32, #tpu.memory_space<hbm>> -> memref<2x128xi32, #tpu.memory_space<hbm>>
      %dma_start3A_124 = arith.constant 0 : i32
      %dma_start3A_125 = tpu.memref_slice %arg3[%dma_start3A_124, %multiple_of3A_121] : memref<2x320000xi32, #tpu.memory_space<hbm>> -> memref<2x128xi32, #tpu.memory_space<hbm>>
      tpu.enqueue_dma source(%dma_start3A_125 : memref<2x128xi32, #tpu.memory_space<hbm>>) target(%arg8 : memref<2x128xi32, #tpu.memory_space<vmem>>) target_semaphore(%arg15 : memref<!tpu.dma_semaphore, #tpu.memory_space<semaphore_mem>>)
      %dma_wait3A_126 = arith.constant 0 : i32
      %dma_wait3A_127 = arith.constant 0 : i32
      %dma_wait3A_128 = tpu.memref_slice %arg6[%dma_wait3A_126, %dma_wait3A_127] : memref<2x128xi32, #tpu.memory_space<vmem>> -> memref<1x128xi32, #tpu.memory_space<vmem>>
      %dma_wait3A_129 = tpu.memref_squeeze %dma_wait3A_128 : memref<1x128xi32, #tpu.memory_space<vmem>> -> memref<128xi32, #tpu.memory_space<vmem>>
      %dma_wait3A_130 = arith.constant 0 : i32
      %dma_wait3A_131 = arith.constant 0 : i32
      %dma_wait3A_132 = tpu.memref_slice %arg2[%dma_wait3A_130, %dma_wait3A_131] : memref<10000x128xf32, #tpu.memory_space<hbm>> -> memref<10000x128xf32, #tpu.memory_space<hbm>>
      tpu.wait_indirect_dma semaphore(%arg16 : memref<!tpu.dma_semaphore, #tpu.memory_space<semaphore_mem>>) src(%dma_wait3A_132 : memref<10000x128xf32, #tpu.memory_space<hbm>>) dst(%arg9 : memref<128x128xf32, #tpu.memory_space<vmem>>)
      %dma_start3A_133 = arith.constant 1 : i32
      %dma_start3A_134 = arith.constant 0 : i32
      %dma_start3A_135 = tpu.memref_slice %arg6[%dma_start3A_133, %dma_start3A_134] : memref<2x128xi32, #tpu.memory_space<vmem>> -> memref<1x128xi32, #tpu.memory_space<vmem>>
      %dma_start3A_136 = tpu.memref_squeeze %dma_start3A_135 : memref<1x128xi32, #tpu.memory_space<vmem>> -> memref<128xi32, #tpu.memory_space<vmem>>
      %dma_start3A_137 = arith.constant 0 : i32
      %dma_start3A_138 = arith.constant 0 : i32
      %dma_start3A_139 = tpu.memref_slice %arg12[%dma_start3A_137, %dma_start3A_138] : memref<10000x128xf32, #tpu.memory_space<vmem_shared>> -> memref<10000x128xf32, #tpu.memory_space<vmem_shared>>
      tpu.enqueue_indirect_dma source(%arg9 : memref<128x128xf32, #tpu.memory_space<vmem>>) target(%dma_start3A_139 : memref<10000x128xf32, #tpu.memory_space<vmem_shared>>) offsets(%dma_start3A_136 : memref<128xi32, #tpu.memory_space<vmem>>) semaphore(%arg19 : memref<!tpu.dma_semaphore, #tpu.memory_space<semaphore_mem>>) {add = true}
      %dma_wait3A_140 = arith.constant 0 : i32
      %dma_wait3A_141 = arith.constant 0 : i32
      %dma_wait3A_142 = tpu.memref_slice %arg3[%dma_wait3A_140, %dma_wait3A_141] : memref<2x320000xi32, #tpu.memory_space<hbm>> -> memref<2x128xi32, #tpu.memory_space<hbm>>
      %dma_wait3A_143 = arith.constant 0 : i32
      %dma_wait3A_144 = arith.constant 0 : i32
      %dma_wait3A_145 = tpu.memref_slice %arg3[%dma_wait3A_143, %dma_wait3A_144] : memref<2x320000xi32, #tpu.memory_space<hbm>> -> memref<2x128xi32, #tpu.memory_space<hbm>>
      tpu.wait_dma2 semaphore(%arg15 : memref<!tpu.dma_semaphore, #tpu.memory_space<semaphore_mem>>) src(%dma_wait3A_145 : memref<2x128xi32, #tpu.memory_space<hbm>>) dst(%arg8 : memref<2x128xi32, #tpu.memory_space<vmem>>)
      %dma_start3A_146 = arith.constant 0 : i32
      %dma_start3A_147 = arith.constant 0 : i32
      %dma_start3A_148 = tpu.memref_slice %arg8[%dma_start3A_146, %dma_start3A_147] : memref<2x128xi32, #tpu.memory_space<vmem>> -> memref<1x128xi32, #tpu.memory_space<vmem>>
      %dma_start3A_149 = tpu.memref_squeeze %dma_start3A_148 : memref<1x128xi32, #tpu.memory_space<vmem>> -> memref<128xi32, #tpu.memory_space<vmem>>
      %dma_start3A_150 = arith.constant 0 : i32
      %dma_start3A_151 = arith.constant 0 : i32
      %dma_start3A_152 = tpu.memref_slice %arg2[%dma_start3A_150, %dma_start3A_151] : memref<10000x128xf32, #tpu.memory_space<hbm>> -> memref<10000x128xf32, #tpu.memory_space<hbm>>
      tpu.enqueue_indirect_dma source(%dma_start3A_152 : memref<10000x128xf32, #tpu.memory_space<hbm>>) target(%arg11 : memref<128x128xf32, #tpu.memory_space<vmem>>) offsets(%dma_start3A_149 : memref<128xi32, #tpu.memory_space<vmem>>) semaphore(%arg18 : memref<!tpu.dma_semaphore, #tpu.memory_space<semaphore_mem>>)
      %dma_wait3A_153 = arith.constant 1 : i32
      %dma_wait3A_154 = arith.constant 0 : i32
      %dma_wait3A_155 = tpu.memref_slice %arg6[%dma_wait3A_153, %dma_wait3A_154] : memref<2x128xi32, #tpu.memory_space<vmem>> -> memref<1x128xi32, #tpu.memory_space<vmem>>
      %dma_wait3A_156 = tpu.memref_squeeze %dma_wait3A_155 : memref<1x128xi32, #tpu.memory_space<vmem>> -> memref<128xi32, #tpu.memory_space<vmem>>
      %dma_wait3A_157 = arith.constant 0 : i32
      %dma_wait3A_158 = arith.constant 0 : i32
      %dma_wait3A_159 = tpu.memref_slice %arg12[%dma_wait3A_157, %dma_wait3A_158] : memref<10000x128xf32, #tpu.memory_space<vmem_shared>> -> memref<10000x128xf32, #tpu.memory_space<vmem_shared>>
      tpu.wait_indirect_dma semaphore(%arg19 : memref<!tpu.dma_semaphore, #tpu.memory_space<semaphore_mem>>) src(%arg9 : memref<128x128xf32, #tpu.memory_space<vmem>>) dst(%dma_wait3A_159 : memref<10000x128xf32, #tpu.memory_space<vmem_shared>>)
      %lt3A_160 = arith.constant 25 : i32
      %lt3A_161 = arith.cmpi slt, %scan3A_60, %lt3A_160 : i32
      %convert_element_type3A_162 = arith.extui %lt3A_161 : i1 to i32
      %cond3A_163 = arith.constant 0 : i32
      %cond3A_164 = arith.cmpi ne, %convert_element_type3A_162, %cond3A_163 : i32
      scf.if %cond3A_164 {
        %add3A_179 = arith.constant 3 : i32
        %add3A_180 = arith.addi %add3A_63, %add3A_179 : i32
        %mul3A_181 = arith.constant 128 : i32
        %mul3A_182 = arith.muli %add3A_180, %mul3A_181 : i32
        %multiple_of3A_183 = tpu.assume_multiple %mul3A_182, 128 : i32
        %dma_start3A_184 = arith.constant 0 : i32
        %dma_start3A_185 = tpu.memref_slice %arg3[%dma_start3A_184, %multiple_of3A_183] : memref<2x320000xi32, #tpu.memory_space<hbm>> -> memref<2x128xi32, #tpu.memory_space<hbm>>
        %dma_start3A_186 = arith.constant 0 : i32
        %dma_start3A_187 = tpu.memref_slice %arg3[%dma_start3A_186, %multiple_of3A_183] : memref<2x320000xi32, #tpu.memory_space<hbm>> -> memref<2x128xi32, #tpu.memory_space<hbm>>
        tpu.enqueue_dma source(%dma_start3A_187 : memref<2x128xi32, #tpu.memory_space<hbm>>) target(%arg6 : memref<2x128xi32, #tpu.memory_space<vmem>>) target_semaphore(%arg13 : memref<!tpu.dma_semaphore, #tpu.memory_space<semaphore_mem>>)
      } else {
      }
      %dma_wait3A_165 = arith.constant 0 : i32
      %dma_wait3A_166 = arith.constant 0 : i32
      %dma_wait3A_167 = tpu.memref_slice %arg7[%dma_wait3A_165, %dma_wait3A_166] : memref<2x128xi32, #tpu.memory_space<vmem>> -> memref<1x128xi32, #tpu.memory_space<vmem>>
      %dma_wait3A_168 = tpu.memref_squeeze %dma_wait3A_167 : memref<1x128xi32, #tpu.memory_space<vmem>> -> memref<128xi32, #tpu.memory_space<vmem>>
      %dma_wait3A_169 = arith.constant 0 : i32
      %dma_wait3A_170 = arith.constant 0 : i32
      %dma_wait3A_171 = tpu.memref_slice %arg2[%dma_wait3A_169, %dma_wait3A_170] : memref<10000x128xf32, #tpu.memory_space<hbm>> -> memref<10000x128xf32, #tpu.memory_space<hbm>>
      tpu.wait_indirect_dma semaphore(%arg17 : memref<!tpu.dma_semaphore, #tpu.memory_space<semaphore_mem>>) src(%dma_wait3A_171 : memref<10000x128xf32, #tpu.memory_space<hbm>>) dst(%arg10 : memref<128x128xf32, #tpu.memory_space<vmem>>)
      %dma_start3A_172 = arith.constant 1 : i32
      %dma_start3A_173 = arith.constant 0 : i32
      %dma_start3A_174 = tpu.memref_slice %arg7[%dma_start3A_172, %dma_start3A_173] : memref<2x128xi32, #tpu.memory_space<vmem>> -> memref<1x128xi32, #tpu.memory_space<vmem>>
      %dma_start3A_175 = tpu.memref_squeeze %dma_start3A_174 : memref<1x128xi32, #tpu.memory_space<vmem>> -> memref<128xi32, #tpu.memory_space<vmem>>
      %dma_start3A_176 = arith.constant 0 : i32
      %dma_start3A_177 = arith.constant 0 : i32
      %dma_start3A_178 = tpu.memref_slice %arg12[%dma_start3A_176, %dma_start3A_177] : memref<10000x128xf32, #tpu.memory_space<vmem_shared>> -> memref<10000x128xf32, #tpu.memory_space<vmem_shared>>
      tpu.enqueue_indirect_dma source(%arg10 : memref<128x128xf32, #tpu.memory_space<vmem>>) target(%dma_start3A_178 : memref<10000x128xf32, #tpu.memory_space<vmem_shared>>) offsets(%dma_start3A_175 : memref<128xi32, #tpu.memory_space<vmem>>) semaphore(%arg20 : memref<!tpu.dma_semaphore, #tpu.memory_space<semaphore_mem>>) {add = true}
    }
    %scan3A_21 = arith.constant 26 : i32
    %dma_wait3A = arith.constant 0 : i32
    %dma_wait3A_22 = arith.constant 0 : i32
    %dma_wait3A_23 = tpu.memref_slice %arg8[%dma_wait3A, %dma_wait3A_22] : memref<2x128xi32, #tpu.memory_space<vmem>> -> memref<1x128xi32, #tpu.memory_space<vmem>>
    %dma_wait3A_24 = tpu.memref_squeeze %dma_wait3A_23 : memref<1x128xi32, #tpu.memory_space<vmem>> -> memref<128xi32, #tpu.memory_space<vmem>>
    %dma_wait3A_25 = arith.constant 0 : i32
    %dma_wait3A_26 = arith.constant 0 : i32
    %dma_wait3A_27 = tpu.memref_slice %arg2[%dma_wait3A_25, %dma_wait3A_26] : memref<10000x128xf32, #tpu.memory_space<hbm>> -> memref<10000x128xf32, #tpu.memory_space<hbm>>
    tpu.wait_indirect_dma semaphore(%arg18 : memref<!tpu.dma_semaphore, #tpu.memory_space<semaphore_mem>>) src(%dma_wait3A_27 : memref<10000x128xf32, #tpu.memory_space<hbm>>) dst(%arg11 : memref<128x128xf32, #tpu.memory_space<vmem>>)
    %dma_start3A_28 = arith.constant 1 : i32
    %dma_start3A_29 = arith.constant 0 : i32
    %dma_start3A_30 = tpu.memref_slice %arg8[%dma_start3A_28, %dma_start3A_29] : memref<2x128xi32, #tpu.memory_space<vmem>> -> memref<1x128xi32, #tpu.memory_space<vmem>>
    %dma_start3A_31 = tpu.memref_squeeze %dma_start3A_30 : memref<1x128xi32, #tpu.memory_space<vmem>> -> memref<128xi32, #tpu.memory_space<vmem>>
    %dma_start3A_32 = arith.constant 0 : i32
    %dma_start3A_33 = arith.constant 0 : i32
    %dma_start3A_34 = tpu.memref_slice %arg12[%dma_start3A_32, %dma_start3A_33] : memref<10000x128xf32, #tpu.memory_space<vmem_shared>> -> memref<10000x128xf32, #tpu.memory_space<vmem_shared>>
    tpu.enqueue_indirect_dma source(%arg11 : memref<128x128xf32, #tpu.memory_space<vmem>>) target(%dma_start3A_34 : memref<10000x128xf32, #tpu.memory_space<vmem_shared>>) offsets(%dma_start3A_31 : memref<128xi32, #tpu.memory_space<vmem>>) semaphore(%arg21 : memref<!tpu.dma_semaphore, #tpu.memory_space<semaphore_mem>>) {add = true}
    %dma_wait3A_35 = arith.constant 1 : i32
    %dma_wait3A_36 = arith.constant 0 : i32
    %dma_wait3A_37 = tpu.memref_slice %arg7[%dma_wait3A_35, %dma_wait3A_36] : memref<2x128xi32, #tpu.memory_space<vmem>> -> memref<1x128xi32, #tpu.memory_space<vmem>>
    %dma_wait3A_38 = tpu.memref_squeeze %dma_wait3A_37 : memref<1x128xi32, #tpu.memory_space<vmem>> -> memref<128xi32, #tpu.memory_space<vmem>>
    %dma_wait3A_39 = arith.constant 0 : i32
    %dma_wait3A_40 = arith.constant 0 : i32
    %dma_wait3A_41 = tpu.memref_slice %arg12[%dma_wait3A_39, %dma_wait3A_40] : memref<10000x128xf32, #tpu.memory_space<vmem_shared>> -> memref<10000x128xf32, #tpu.memory_space<vmem_shared>>
    tpu.wait_indirect_dma semaphore(%arg20 : memref<!tpu.dma_semaphore, #tpu.memory_space<semaphore_mem>>) src(%arg10 : memref<128x128xf32, #tpu.memory_space<vmem>>) dst(%dma_wait3A_41 : memref<10000x128xf32, #tpu.memory_space<vmem_shared>>)
    %dma_wait3A_42 = arith.constant 1 : i32
    %dma_wait3A_43 = arith.constant 0 : i32
    %dma_wait3A_44 = tpu.memref_slice %arg8[%dma_wait3A_42, %dma_wait3A_43] : memref<2x128xi32, #tpu.memory_space<vmem>> -> memref<1x128xi32, #tpu.memory_space<vmem>>
    %dma_wait3A_45 = tpu.memref_squeeze %dma_wait3A_44 : memref<1x128xi32, #tpu.memory_space<vmem>> -> memref<128xi32, #tpu.memory_space<vmem>>
    %dma_wait3A_46 = arith.constant 0 : i32
    %dma_wait3A_47 = arith.constant 0 : i32
    %dma_wait3A_48 = tpu.memref_slice %arg12[%dma_wait3A_46, %dma_wait3A_47] : memref<10000x128xf32, #tpu.memory_space<vmem_shared>> -> memref<10000x128xf32, #tpu.memory_space<vmem_shared>>
    tpu.wait_indirect_dma semaphore(%arg21 : memref<!tpu.dma_semaphore, #tpu.memory_space<semaphore_mem>>) src(%arg11 : memref<128x128xf32, #tpu.memory_space<vmem>>) dst(%dma_wait3A_48 : memref<10000x128xf32, #tpu.memory_space<vmem_shared>>)
    %lt3A_49 = arith.constant 4 : i32
    %lt3A_50 = arith.cmpi slt, %add3A, %lt3A_49 : i32
    %convert_element_type3A_51 = arith.extui %lt3A_50 : i1 to i32
    %cond3A_52 = arith.constant 0 : i32
    %cond3A_53 = arith.cmpi ne, %convert_element_type3A_51, %cond3A_52 : i32
    scf.if %cond3A_53 {
      %add3A_60 = arith.constant 2496 : i32
      %add3A_61 = arith.addi %add3A_60, %add3A : i32
      %mul3A_62 = arith.constant 128 : i32
      %mul3A_63 = arith.muli %add3A_61, %mul3A_62 : i32
      %multiple_of3A_64 = tpu.assume_multiple %mul3A_63, 128 : i32
      "tpu.region"() ({
        %run_scoped3A_79 = tpu.sem_alloc : memref<!tpu.dma_semaphore, #tpu.memory_space<semaphore_mem>>
        %dma_start3A_80 = arith.constant 0 : i32
        %dma_start3A_81 = tpu.memref_slice %arg3[%dma_start3A_80, %multiple_of3A_64] : memref<2x320000xi32, #tpu.memory_space<hbm>> -> memref<2x128xi32, #tpu.memory_space<hbm>>
        %dma_start3A_82 = arith.constant 0 : i32
        %dma_start3A_83 = tpu.memref_slice %arg3[%dma_start3A_82, %multiple_of3A_64] : memref<2x320000xi32, #tpu.memory_space<hbm>> -> memref<2x128xi32, #tpu.memory_space<hbm>>
        tpu.enqueue_dma source(%dma_start3A_83 : memref<2x128xi32, #tpu.memory_space<hbm>>) target(%arg6 : memref<2x128xi32, #tpu.memory_space<vmem>>) target_semaphore(%run_scoped3A_79 : memref<!tpu.dma_semaphore, #tpu.memory_space<semaphore_mem>>)
        %dma_wait3A_84 = arith.constant 0 : i32
        %dma_wait3A_85 = tpu.memref_slice %arg3[%dma_wait3A_84, %multiple_of3A_64] : memref<2x320000xi32, #tpu.memory_space<hbm>> -> memref<2x128xi32, #tpu.memory_space<hbm>>
        %dma_wait3A_86 = arith.constant 0 : i32
        %dma_wait3A_87 = tpu.memref_slice %arg3[%dma_wait3A_86, %multiple_of3A_64] : memref<2x320000xi32, #tpu.memory_space<hbm>> -> memref<2x128xi32, #tpu.memory_space<hbm>>
        tpu.wait_dma2 semaphore(%run_scoped3A_79 : memref<!tpu.dma_semaphore, #tpu.memory_space<semaphore_mem>>) src(%dma_wait3A_87 : memref<2x128xi32, #tpu.memory_space<hbm>>) dst(%arg6 : memref<2x128xi32, #tpu.memory_space<vmem>>)
        tpu.yield
      }) : () -> ()
      %dma_start3A_65 = arith.constant 0 : i32
      %dma_start3A_66 = arith.constant 0 : i32
      %dma_start3A_67 = tpu.memref_slice %arg6[%dma_start3A_65, %dma_start3A_66] : memref<2x128xi32, #tpu.memory_space<vmem>> -> memref<1x128xi32, #tpu.memory_space<vmem>>
      %dma_start3A_68 = tpu.memref_squeeze %dma_start3A_67 : memref<1x128xi32, #tpu.memory_space<vmem>> -> memref<128xi32, #tpu.memory_space<vmem>>
      %dma_start3A_69 = arith.constant 0 : i32
      %dma_start3A_70 = arith.constant 0 : i32
      %dma_start3A_71 = tpu.memref_slice %arg2[%dma_start3A_69, %dma_start3A_70] : memref<10000x128xf32, #tpu.memory_space<hbm>> -> memref<10000x128xf32, #tpu.memory_space<hbm>>
      tpu.enqueue_indirect_dma source(%dma_start3A_71 : memref<10000x128xf32, #tpu.memory_space<hbm>>) target(%arg9 : memref<128x128xf32, #tpu.memory_space<vmem>>) offsets(%dma_start3A_68 : memref<128xi32, #tpu.memory_space<vmem>>) semaphore(%arg16 : memref<!tpu.dma_semaphore, #tpu.memory_space<semaphore_mem>>)
      %dma_wait3A_72 = arith.constant 0 : i32
      %dma_wait3A_73 = arith.constant 0 : i32
      %dma_wait3A_74 = tpu.memref_slice %arg6[%dma_wait3A_72, %dma_wait3A_73] : memref<2x128xi32, #tpu.memory_space<vmem>> -> memref<1x128xi32, #tpu.memory_space<vmem>>
      %dma_wait3A_75 = tpu.memref_squeeze %dma_wait3A_74 : memref<1x128xi32, #tpu.memory_space<vmem>> -> memref<128xi32, #tpu.memory_space<vmem>>
      %dma_wait3A_76 = arith.constant 0 : i32
      %dma_wait3A_77 = arith.constant 0 : i32
      %dma_wait3A_78 = tpu.memref_slice %arg2[%dma_wait3A_76, %dma_wait3A_77] : memref<10000x128xf32, #tpu.memory_space<hbm>> -> memref<10000x128xf32, #tpu.memory_space<hbm>>
      tpu.wait_indirect_dma semaphore(%arg16 : memref<!tpu.dma_semaphore, #tpu.memory_space<semaphore_mem>>) src(%dma_wait3A_78 : memref<10000x128xf32, #tpu.memory_space<hbm>>) dst(%arg9 : memref<128x128xf32, #tpu.memory_space<vmem>>)
      %run_scoped3A = arith.constant 1 : i32
      "tpu.region"() ({
        %run_scoped3A_79 = tpu.sem_alloc : memref<!tpu.dma_semaphore, #tpu.memory_space<semaphore_mem>>
        %dma_start3A_80 = arith.constant 0 : i32
        %dma_start3A_81 = tpu.memref_slice %arg6[%run_scoped3A, %dma_start3A_80] : memref<2x128xi32, #tpu.memory_space<vmem>> -> memref<1x128xi32, #tpu.memory_space<vmem>>
        %dma_start3A_82 = tpu.memref_squeeze %dma_start3A_81 : memref<1x128xi32, #tpu.memory_space<vmem>> -> memref<128xi32, #tpu.memory_space<vmem>>
        %dma_start3A_83 = arith.constant 0 : i32
        %dma_start3A_84 = arith.constant 0 : i32
        %dma_start3A_85 = tpu.memref_slice %arg12[%dma_start3A_83, %dma_start3A_84] : memref<10000x128xf32, #tpu.memory_space<vmem_shared>> -> memref<10000x128xf32, #tpu.memory_space<vmem_shared>>
        tpu.enqueue_indirect_dma source(%arg9 : memref<128x128xf32, #tpu.memory_space<vmem>>) target(%dma_start3A_85 : memref<10000x128xf32, #tpu.memory_space<vmem_shared>>) offsets(%dma_start3A_82 : memref<128xi32, #tpu.memory_space<vmem>>) semaphore(%run_scoped3A_79 : memref<!tpu.dma_semaphore, #tpu.memory_space<semaphore_mem>>) {add = true}
        %dma_wait3A_86 = arith.constant 0 : i32
        %dma_wait3A_87 = tpu.memref_slice %arg6[%run_scoped3A, %dma_wait3A_86] : memref<2x128xi32, #tpu.memory_space<vmem>> -> memref<1x128xi32, #tpu.memory_space<vmem>>
        %dma_wait3A_88 = tpu.memref_squeeze %dma_wait3A_87 : memref<1x128xi32, #tpu.memory_space<vmem>> -> memref<128xi32, #tpu.memory_space<vmem>>
        %dma_wait3A_89 = arith.constant 0 : i32
        %dma_wait3A_90 = arith.constant 0 : i32
        %dma_wait3A_91 = tpu.memref_slice %arg12[%dma_wait3A_89, %dma_wait3A_90] : memref<10000x128xf32, #tpu.memory_space<vmem_shared>> -> memref<10000x128xf32, #tpu.memory_space<vmem_shared>>
        tpu.wait_indirect_dma semaphore(%run_scoped3A_79 : memref<!tpu.dma_semaphore, #tpu.memory_space<semaphore_mem>>) src(%arg9 : memref<128x128xf32, #tpu.memory_space<vmem>>) dst(%dma_wait3A_91 : memref<10000x128xf32, #tpu.memory_space<vmem_shared>>)
        tpu.yield
      }) : () -> ()
    } else {
    }
    %barrier3A_54 = arith.constant 0 : index
    tpu.barrier barrier_id(%barrier3A_54)
    "tpu.region"() ({
      %run_scoped3A = tpu.sem_alloc : memref<!tpu.dma_semaphore, #tpu.memory_space<semaphore_mem>>
      %dma_start3A_60 = arith.constant 0 : i32
      %dma_start3A_61 = arith.constant 0 : i32
      %dma_start3A_62 = tpu.memref_slice %arg5[%arg0, %dma_start3A_60, %dma_start3A_61] : memref<2x10000x128xf32, #tpu.memory_space<hbm>> -> memref<1x10000x128xf32, #tpu.memory_space<hbm>>
      %dma_start3A_63 = tpu.memref_squeeze %dma_start3A_62 : memref<1x10000x128xf32, #tpu.memory_space<hbm>> -> memref<10000x128xf32, #tpu.memory_space<hbm>>
      %dma_start3A_64 = arith.constant 0 : i32
      %dma_start3A_65 = tpu.memref_slice %dma_start3A_63[%multiple_of3A, %dma_start3A_64] : memref<10000x128xf32, #tpu.memory_space<hbm>> -> memref<624x128xf32, #tpu.memory_space<hbm>>
      %dma_start3A_66 = arith.constant 0 : i32
      %dma_start3A_67 = tpu.memref_slice %arg12[%multiple_of3A, %dma_start3A_66] : memref<10000x128xf32, #tpu.memory_space<vmem_shared>> -> memref<624x128xf32, #tpu.memory_space<vmem_shared>>
      tpu.enqueue_dma source(%dma_start3A_67 : memref<624x128xf32, #tpu.memory_space<vmem_shared>>) target(%dma_start3A_65 : memref<624x128xf32, #tpu.memory_space<hbm>>) target_semaphore(%run_scoped3A : memref<!tpu.dma_semaphore, #tpu.memory_space<semaphore_mem>>)
      %dma_wait3A_68 = arith.constant 0 : i32
      %dma_wait3A_69 = arith.constant 0 : i32
      %dma_wait3A_70 = tpu.memref_slice %arg5[%arg0, %dma_wait3A_68, %dma_wait3A_69] : memref<2x10000x128xf32, #tpu.memory_space<hbm>> -> memref<1x10000x128xf32, #tpu.memory_space<hbm>>
      %dma_wait3A_71 = tpu.memref_squeeze %dma_wait3A_70 : memref<1x10000x128xf32, #tpu.memory_space<hbm>> -> memref<10000x128xf32, #tpu.memory_space<hbm>>
      %dma_wait3A_72 = arith.constant 0 : i32
      %dma_wait3A_73 = tpu.memref_slice %dma_wait3A_71[%multiple_of3A, %dma_wait3A_72] : memref<10000x128xf32, #tpu.memory_space<hbm>> -> memref<624x128xf32, #tpu.memory_space<hbm>>
      %dma_wait3A_74 = arith.constant 0 : i32
      %dma_wait3A_75 = tpu.memref_slice %arg12[%multiple_of3A, %dma_wait3A_74] : memref<10000x128xf32, #tpu.memory_space<vmem_shared>> -> memref<624x128xf32, #tpu.memory_space<vmem_shared>>
      tpu.wait_dma2 semaphore(%run_scoped3A : memref<!tpu.dma_semaphore, #tpu.memory_space<semaphore_mem>>) src(%dma_wait3A_75 : memref<624x128xf32, #tpu.memory_space<vmem_shared>>) dst(%dma_wait3A_73 : memref<624x128xf32, #tpu.memory_space<hbm>>)
      tpu.yield
    }) : () -> ()
    %lt3A_55 = arith.constant 2 : i32
    %lt3A_56 = arith.cmpi slt, %arg1, %lt3A_55 : i32
    %convert_element_type3A_57 = arith.extui %lt3A_56 : i1 to i32
    %cond3A_58 = arith.constant 0 : i32
    %cond3A_59 = arith.cmpi ne, %convert_element_type3A_57, %cond3A_58 : i32
    scf.if %cond3A_59 {
      %add3A_60 = arith.constant 624 : i32
      %add3A_61 = arith.addi %multiple_of3A, %add3A_60 : i32
      %multiple_of3A_62 = tpu.assume_multiple %add3A_61, 8 : i32
      "tpu.region"() ({
        %run_scoped3A = tpu.sem_alloc : memref<!tpu.dma_semaphore, #tpu.memory_space<semaphore_mem>>
        %dma_start3A_63 = arith.constant 0 : i32
        %dma_start3A_64 = arith.constant 0 : i32
        %dma_start3A_65 = tpu.memref_slice %arg5[%arg0, %dma_start3A_63, %dma_start3A_64] : memref<2x10000x128xf32, #tpu.memory_space<hbm>> -> memref<1x10000x128xf32, #tpu.memory_space<hbm>>
        %dma_start3A_66 = tpu.memref_squeeze %dma_start3A_65 : memref<1x10000x128xf32, #tpu.memory_space<hbm>> -> memref<10000x128xf32, #tpu.memory_space<hbm>>
        %dma_start3A_67 = arith.constant 0 : i32
        %dma_start3A_68 = tpu.memref_slice %dma_start3A_66[%multiple_of3A_62, %dma_start3A_67] : memref<10000x128xf32, #tpu.memory_space<hbm>> -> memref<8x128xf32, #tpu.memory_space<hbm>>
        %dma_start3A_69 = arith.constant 0 : i32
        %dma_start3A_70 = tpu.memref_slice %arg12[%multiple_of3A_62, %dma_start3A_69] : memref<10000x128xf32, #tpu.memory_space<vmem_shared>> -> memref<8x128xf32, #tpu.memory_space<vmem_shared>>
        tpu.enqueue_dma source(%dma_start3A_70 : memref<8x128xf32, #tpu.memory_space<vmem_shared>>) target(%dma_start3A_68 : memref<8x128xf32, #tpu.memory_space<hbm>>) target_semaphore(%run_scoped3A : memref<!tpu.dma_semaphore, #tpu.memory_space<semaphore_mem>>)
        %dma_wait3A_71 = arith.constant 0 : i32
        %dma_wait3A_72 = arith.constant 0 : i32
        %dma_wait3A_73 = tpu.memref_slice %arg5[%arg0, %dma_wait3A_71, %dma_wait3A_72] : memref<2x10000x128xf32, #tpu.memory_space<hbm>> -> memref<1x10000x128xf32, #tpu.memory_space<hbm>>
        %dma_wait3A_74 = tpu.memref_squeeze %dma_wait3A_73 : memref<1x10000x128xf32, #tpu.memory_space<hbm>> -> memref<10000x128xf32, #tpu.memory_space<hbm>>
        %dma_wait3A_75 = arith.constant 0 : i32
        %dma_wait3A_76 = tpu.memref_slice %dma_wait3A_74[%multiple_of3A_62, %dma_wait3A_75] : memref<10000x128xf32, #tpu.memory_space<hbm>> -> memref<8x128xf32, #tpu.memory_space<hbm>>
        %dma_wait3A_77 = arith.constant 0 : i32
        %dma_wait3A_78 = tpu.memref_slice %arg12[%multiple_of3A_62, %dma_wait3A_77] : memref<10000x128xf32, #tpu.memory_space<vmem_shared>> -> memref<8x128xf32, #tpu.memory_space<vmem_shared>>
        tpu.wait_dma2 semaphore(%run_scoped3A : memref<!tpu.dma_semaphore, #tpu.memory_space<semaphore_mem>>) src(%dma_wait3A_78 : memref<8x128xf32, #tpu.memory_space<vmem_shared>>) dst(%dma_wait3A_76 : memref<8x128xf32, #tpu.memory_space<hbm>>)
        tpu.yield
      }) : () -> ()
    } else {
    }
    return
  }
}

module attributes {stable_mosaic.version = 14 : i64} {
  func.func @_transform_body(%arg0: i32, %arg1: memref<1000x128xf32, #tpu.memory_space<vmem>>, %arg2: memref<128x128xf32, #tpu.memory_space<vmem>>, %arg3: memref<128x1xf32, #tpu.memory_space<vmem>>, %arg4: memref<1000x128xf32, #tpu.memory_space<vmem>>) attributes {dimension_semantics = [#tpu.dimension_semantics<arbitrary>], iteration_bounds = array<i64: 10>, scalar_prefetch = 0 : i64, scratch_operands = 0 : i64, tpu.core_type = #tpu.core_type<tc>, window_params = [{transform_indices = @transform_0, window_bounds = array<i64: 1000, 128>}, {pipeline_mode = #tpu.pipeline_mode<synchronous>, transform_indices = @transform_1, window_bounds = array<i64: 128, 128>}, {pipeline_mode = #tpu.pipeline_mode<synchronous>, transform_indices = @transform_2, window_bounds = array<i64: 128, 1>}, {transform_indices = @transform_3, window_bounds = array<i64: 1000, 128>}]} {
    %get3A = arith.constant 0 : index
    %get3A_0 = arith.constant 0 : index
    %get3A_1 = vector.load %arg1[%get3A, %get3A_0] : memref<1000x128xf32, #tpu.memory_space<vmem>>, vector<1000x128xf32>
    %transpose3A = tpu.transpose %get3A_1, [1, 0] : vector<1000x128xf32> -> vector<128x1000xf32>
    %mul3A = arith.mulf %transpose3A, %transpose3A : vector<128x1000xf32>
    %reduce_sum3A = arith.constant dense<0.000000e+00> : vector<1000xf32>
    %reduce_sum3A_2 = vector.multi_reduction <add>, %mul3A, %reduce_sum3A [0] : vector<128x1000xf32> to vector<1000xf32>
    %broadcast_in_dim3A = vector.shape_cast %reduce_sum3A_2 : vector<1000xf32> to vector<1x1000xf32>
    %max3A = arith.constant 1.000000e-30 : f32
    %max3A_3 = vector.broadcast %max3A : f32 to vector<1x1000xf32>
    %max3A_4 = arith.maximumf %broadcast_in_dim3A, %max3A_3 : vector<1x1000xf32>
    %rsqrt3A = math.rsqrt %max3A_4 : vector<1x1000xf32>
    %mul3A_5 = arith.mulf %broadcast_in_dim3A, %rsqrt3A : vector<1x1000xf32>
    %jit3A = arith.constant 0.000000e+00 : f32
    %jit3A_6 = arith.constant 0.999998986 : f32
    %max3A_7 = vector.broadcast %jit3A : f32 to vector<1x1000xf32>
    %max3A_8 = arith.maximumf %max3A_7, %mul3A_5 : vector<1x1000xf32>
    %min3A = vector.broadcast %jit3A_6 : f32 to vector<1x1000xf32>
    %min3A_9 = arith.minimumf %min3A, %max3A_8 : vector<1x1000xf32>
    %add3A = arith.constant 1.000000e+00 : f32
    %add3A_10 = vector.broadcast %add3A : f32 to vector<1x1000xf32>
    %add3A_11 = arith.addf %add3A_10, %min3A_9 : vector<1x1000xf32>
    %sub3A = arith.constant 1.000000e+00 : f32
    %sub3A_12 = vector.broadcast %sub3A : f32 to vector<1x1000xf32>
    %sub3A_13 = arith.subf %sub3A_12, %min3A_9 : vector<1x1000xf32>
    %div3A = arith.divf %add3A_11, %sub3A_13 : vector<1x1000xf32>
    %log3A = math.log %div3A : vector<1x1000xf32>
    %mul3A_14 = arith.constant 5.000000e-01 : f32
    %mul3A_15 = vector.broadcast %mul3A_14 : f32 to vector<1x1000xf32>
    %mul3A_16 = arith.mulf %mul3A_15, %log3A : vector<1x1000xf32>
    %mul3A_17 = arith.mulf %mul3A_16, %rsqrt3A : vector<1x1000xf32>
    %mul3A_18 = vector.broadcast %mul3A_17 : vector<1x1000xf32> to vector<128x1000xf32>
    %mul3A_19 = arith.mulf %transpose3A, %mul3A_18 : vector<128x1000xf32>
    %get3A_20 = arith.constant 0 : index
    %get3A_21 = arith.constant 0 : index
    %get3A_22 = vector.load %arg2[%get3A_20, %get3A_21] : memref<128x128xf32, #tpu.memory_space<vmem>>, vector<128x128xf32>
    %dot_general3A = arith.constant dense<0.000000e+00> : vector<128x1000xf32>
    %dot_general3A_23 = tpu.matmul %get3A_22, %mul3A_19, %dot_general3A {dimension_numbers = #tpu.dot_dimension_numbers<[1], [0], [0], [1], [0, 0, 1, 1], [], []>, transpose_lhs_hint = false} : vector<128x128xf32>, vector<128x1000xf32>, vector<128x1000xf32> -> vector<128x1000xf32>
    %get3A_24 = arith.constant 0 : index
    %get3A_25 = arith.constant 0 : index
    %get3A_26 = vector.load %arg3[%get3A_24, %get3A_25] : memref<128x1xf32, #tpu.memory_space<vmem>>, vector<128x1xf32>
    %add3A_27 = vector.broadcast %get3A_26 : vector<128x1xf32> to vector<128x1000xf32>
    %add3A_28 = arith.addf %dot_general3A_23, %add3A_27 : vector<128x1000xf32>
    %mul3A_29 = arith.mulf %add3A_28, %add3A_28 : vector<128x1000xf32>
    %reduce_sum3A_30 = arith.constant dense<0.000000e+00> : vector<1000xf32>
    %reduce_sum3A_31 = vector.multi_reduction <add>, %mul3A_29, %reduce_sum3A_30 [0] : vector<128x1000xf32> to vector<1000xf32>
    %broadcast_in_dim3A_32 = vector.shape_cast %reduce_sum3A_31 : vector<1000xf32> to vector<1x1000xf32>
    %max3A_33 = arith.constant 1.000000e-30 : f32
    %max3A_34 = vector.broadcast %max3A_33 : f32 to vector<1x1000xf32>
    %max3A_35 = arith.maximumf %broadcast_in_dim3A_32, %max3A_34 : vector<1x1000xf32>
    %rsqrt3A_36 = math.rsqrt %max3A_35 : vector<1x1000xf32>
    %mul3A_37 = arith.mulf %broadcast_in_dim3A_32, %rsqrt3A_36 : vector<1x1000xf32>
    %tanh3A = math.tanh %mul3A_37 : vector<1x1000xf32>
    %mul3A_38 = arith.mulf %tanh3A, %rsqrt3A_36 : vector<1x1000xf32>
    %mul3A_39 = vector.broadcast %mul3A_38 : vector<1x1000xf32> to vector<128x1000xf32>
    %mul3A_40 = arith.mulf %add3A_28, %mul3A_39 : vector<128x1000xf32>
    %transpose3A_41 = tpu.transpose %mul3A_40, [1, 0] : vector<128x1000xf32> -> vector<1000x128xf32>
    %swap3A = arith.constant 0 : index
    %swap3A_42 = arith.constant 0 : index
    %swap3A_43 = vector.load %arg4[%swap3A, %swap3A_42] : memref<1000x128xf32, #tpu.memory_space<vmem>>, vector<1000x128xf32>
    tpu.vector_store %arg4[%swap3A, %swap3A_42], %transpose3A_41 {strides = array<i32>} : memref<1000x128xf32, #tpu.memory_space<vmem>>, vector<1000x128xf32>,
    return
  }
  func.func @transform_0(%arg0: i32) -> (i32, i32) {
    %c0_i32 = arith.constant 0 : i32
    %c0_i32_0 = arith.constant 0 : i32
    return %arg0, %c0_i32 : i32, i32
  }
  func.func @transform_1(%arg0: i32) -> (i32, i32) {
    %c0_i32 = arith.constant 0 : i32
    %c0_i32_0 = arith.constant 0 : i32
    %c0_i32_1 = arith.constant 0 : i32
    return %c0_i32, %c0_i32_0 : i32, i32
  }
  func.func @transform_2(%arg0: i32) -> (i32, i32) {
    %c0_i32 = arith.constant 0 : i32
    %c0_i32_0 = arith.constant 0 : i32
    %c0_i32_1 = arith.constant 0 : i32
    return %c0_i32, %c0_i32_0 : i32, i32
  }
  func.func @transform_3(%arg0: i32) -> (i32, i32) {
    %c0_i32 = arith.constant 0 : i32
    %c0_i32_0 = arith.constant 0 : i32
    return %arg0, %c0_i32 : i32, i32
  }
}

module attributes {stable_mosaic.version = 14 : i64} {
  func.func @_transform_mid_body(%arg0: i32, %arg1: memref<2x1000x128xf32, #tpu.memory_space<vmem>>, %arg2: memref<128x128xf32, #tpu.memory_space<vmem>>, %arg3: memref<128x1xf32, #tpu.memory_space<vmem>>, %arg4: memref<1000x128xf32, #tpu.memory_space<vmem>>) attributes {dimension_semantics = [#tpu.dimension_semantics<arbitrary>], iteration_bounds = array<i64: 10>, scalar_prefetch = 0 : i64, scratch_operands = 0 : i64, tpu.core_type = #tpu.core_type<tc>, window_params = [{transform_indices = @transform_0, window_bounds = array<i64: 2, 1000, 128>}, {pipeline_mode = #tpu.pipeline_mode<synchronous>, transform_indices = @transform_1, window_bounds = array<i64: 128, 128>}, {pipeline_mode = #tpu.pipeline_mode<synchronous>, transform_indices = @transform_2, window_bounds = array<i64: 128, 1>}, {transform_indices = @transform_3, window_bounds = array<i64: 1000, 128>}]} {
    %get3A = arith.constant 0 : index
    %get3A_0 = arith.constant 0 : index
    %get3A_1 = arith.constant 0 : index
    %get3A_2 = vector.load %arg1[%get3A, %get3A_0, %get3A_1] : memref<2x1000x128xf32, #tpu.memory_space<vmem>>, vector<1x1000x128xf32>
    %get3A_3 = vector.shape_cast %get3A_2 : vector<1x1000x128xf32> to vector<1000x128xf32>
    %get3A_4 = arith.constant 1 : index
    %get3A_5 = arith.constant 0 : index
    %get3A_6 = arith.constant 0 : index
    %get3A_7 = vector.load %arg1[%get3A_4, %get3A_5, %get3A_6] : memref<2x1000x128xf32, #tpu.memory_space<vmem>>, vector<1x1000x128xf32>
    %get3A_8 = vector.shape_cast %get3A_7 : vector<1x1000x128xf32> to vector<1000x128xf32>
    %add3A = arith.addf %get3A_3, %get3A_8 : vector<1000x128xf32>
    %max3A = arith.constant 0.000000e+00 : f32
    %max3A_9 = vector.broadcast %max3A : f32 to vector<1000x128xf32>
    %max3A_10 = arith.maximumf %add3A, %max3A_9 : vector<1000x128xf32>
    %transpose3A = tpu.transpose %max3A_10, [1, 0] : vector<1000x128xf32> -> vector<128x1000xf32>
    %mul3A = arith.mulf %transpose3A, %transpose3A : vector<128x1000xf32>
    %reduce_sum3A = arith.constant dense<0.000000e+00> : vector<1000xf32>
    %reduce_sum3A_11 = vector.multi_reduction <add>, %mul3A, %reduce_sum3A [0] : vector<128x1000xf32> to vector<1000xf32>
    %broadcast_in_dim3A = vector.shape_cast %reduce_sum3A_11 : vector<1000xf32> to vector<1x1000xf32>
    %max3A_12 = arith.constant 1.000000e-30 : f32
    %max3A_13 = vector.broadcast %max3A_12 : f32 to vector<1x1000xf32>
    %max3A_14 = arith.maximumf %broadcast_in_dim3A, %max3A_13 : vector<1x1000xf32>
    %rsqrt3A = math.rsqrt %max3A_14 : vector<1x1000xf32>
    %mul3A_15 = arith.mulf %broadcast_in_dim3A, %rsqrt3A : vector<1x1000xf32>
    %jit3A = arith.constant 0.000000e+00 : f32
    %jit3A_16 = arith.constant 0.999998986 : f32
    %max3A_17 = vector.broadcast %jit3A : f32 to vector<1x1000xf32>
    %max3A_18 = arith.maximumf %max3A_17, %mul3A_15 : vector<1x1000xf32>
    %min3A = vector.broadcast %jit3A_16 : f32 to vector<1x1000xf32>
    %min3A_19 = arith.minimumf %min3A, %max3A_18 : vector<1x1000xf32>
    %add3A_20 = arith.constant 1.000000e+00 : f32
    %add3A_21 = vector.broadcast %add3A_20 : f32 to vector<1x1000xf32>
    %add3A_22 = arith.addf %add3A_21, %min3A_19 : vector<1x1000xf32>
    %sub3A = arith.constant 1.000000e+00 : f32
    %sub3A_23 = vector.broadcast %sub3A : f32 to vector<1x1000xf32>
    %sub3A_24 = arith.subf %sub3A_23, %min3A_19 : vector<1x1000xf32>
    %div3A = arith.divf %add3A_22, %sub3A_24 : vector<1x1000xf32>
    %log3A = math.log %div3A : vector<1x1000xf32>
    %mul3A_25 = arith.constant 5.000000e-01 : f32
    %mul3A_26 = vector.broadcast %mul3A_25 : f32 to vector<1x1000xf32>
    %mul3A_27 = arith.mulf %mul3A_26, %log3A : vector<1x1000xf32>
    %mul3A_28 = arith.mulf %mul3A_27, %rsqrt3A : vector<1x1000xf32>
    %mul3A_29 = vector.broadcast %mul3A_28 : vector<1x1000xf32> to vector<128x1000xf32>
    %mul3A_30 = arith.mulf %transpose3A, %mul3A_29 : vector<128x1000xf32>
    %get3A_31 = arith.constant 0 : index
    %get3A_32 = arith.constant 0 : index
    %get3A_33 = vector.load %arg2[%get3A_31, %get3A_32] : memref<128x128xf32, #tpu.memory_space<vmem>>, vector<128x128xf32>
    %dot_general3A = arith.constant dense<0.000000e+00> : vector<128x1000xf32>
    %dot_general3A_34 = tpu.matmul %get3A_33, %mul3A_30, %dot_general3A {dimension_numbers = #tpu.dot_dimension_numbers<[1], [0], [0], [1], [0, 0, 1, 1], [], []>, transpose_lhs_hint = false} : vector<128x128xf32>, vector<128x1000xf32>, vector<128x1000xf32> -> vector<128x1000xf32>
    %get3A_35 = arith.constant 0 : index
    %get3A_36 = arith.constant 0 : index
    %get3A_37 = vector.load %arg3[%get3A_35, %get3A_36] : memref<128x1xf32, #tpu.memory_space<vmem>>, vector<128x1xf32>
    %add3A_38 = vector.broadcast %get3A_37 : vector<128x1xf32> to vector<128x1000xf32>
    %add3A_39 = arith.addf %dot_general3A_34, %add3A_38 : vector<128x1000xf32>
    %mul3A_40 = arith.mulf %add3A_39, %add3A_39 : vector<128x1000xf32>
    %reduce_sum3A_41 = arith.constant dense<0.000000e+00> : vector<1000xf32>
    %reduce_sum3A_42 = vector.multi_reduction <add>, %mul3A_40, %reduce_sum3A_41 [0] : vector<128x1000xf32> to vector<1000xf32>
    %broadcast_in_dim3A_43 = vector.shape_cast %reduce_sum3A_42 : vector<1000xf32> to vector<1x1000xf32>
    %max3A_44 = arith.constant 1.000000e-30 : f32
    %max3A_45 = vector.broadcast %max3A_44 : f32 to vector<1x1000xf32>
    %max3A_46 = arith.maximumf %broadcast_in_dim3A_43, %max3A_45 : vector<1x1000xf32>
    %rsqrt3A_47 = math.rsqrt %max3A_46 : vector<1x1000xf32>
    %mul3A_48 = arith.mulf %broadcast_in_dim3A_43, %rsqrt3A_47 : vector<1x1000xf32>
    %tanh3A = math.tanh %mul3A_48 : vector<1x1000xf32>
    %mul3A_49 = arith.mulf %tanh3A, %rsqrt3A_47 : vector<1x1000xf32>
    %mul3A_50 = vector.broadcast %mul3A_49 : vector<1x1000xf32> to vector<128x1000xf32>
    %mul3A_51 = arith.mulf %add3A_39, %mul3A_50 : vector<128x1000xf32>
    %transpose3A_52 = tpu.transpose %mul3A_51, [1, 0] : vector<128x1000xf32> -> vector<1000x128xf32>
    %swap3A = arith.constant 0 : index
    %swap3A_53 = arith.constant 0 : index
    %swap3A_54 = vector.load %arg4[%swap3A, %swap3A_53] : memref<1000x128xf32, #tpu.memory_space<vmem>>, vector<1000x128xf32>
    tpu.vector_store %arg4[%swap3A, %swap3A_53], %transpose3A_52 {strides = array<i32>} : memref<1000x128xf32, #tpu.memory_space<vmem>>, vector<1000x128xf32>,
    return
  }
  func.func @transform_0(%arg0: i32) -> (i32, i32, i32) {
    %c0_i32 = arith.constant 0 : i32
    %c0_i32_0 = arith.constant 0 : i32
    %c0_i32_1 = arith.constant 0 : i32
    return %c0_i32, %arg0, %c0_i32_0 : i32, i32, i32
  }
  func.func @transform_1(%arg0: i32) -> (i32, i32) {
    %c0_i32 = arith.constant 0 : i32
    %c0_i32_0 = arith.constant 0 : i32
    %c0_i32_1 = arith.constant 0 : i32
    return %c0_i32, %c0_i32_0 : i32, i32
  }
  func.func @transform_2(%arg0: i32) -> (i32, i32) {
    %c0_i32 = arith.constant 0 : i32
    %c0_i32_0 = arith.constant 0 : i32
    %c0_i32_1 = arith.constant 0 : i32
    return %c0_i32, %c0_i32_0 : i32, i32
  }
  func.func @transform_3(%arg0: i32) -> (i32, i32) {
    %c0_i32 = arith.constant 0 : i32
    %c0_i32_0 = arith.constant 0 : i32
    return %arg0, %c0_i32 : i32, i32
  }
}

module attributes {stable_mosaic.version = 14 : i64} {
  func.func @_classifier_body(%arg0: i32, %arg1: memref<2x1000x128xf32, #tpu.memory_space<vmem>>, %arg2: memref<128x10xf32, #tpu.memory_space<vmem>>, %arg3: memref<1x10xf32, #tpu.memory_space<vmem>>, %arg4: memref<1000x10xf32, #tpu.memory_space<vmem>>) attributes {dimension_semantics = [#tpu.dimension_semantics<arbitrary>], iteration_bounds = array<i64: 10>, scalar_prefetch = 0 : i64, scratch_operands = 0 : i64, tpu.core_type = #tpu.core_type<tc>, window_params = [{transform_indices = @transform_0, window_bounds = array<i64: 2, 1000, 128>}, {pipeline_mode = #tpu.pipeline_mode<synchronous>, transform_indices = @transform_1, window_bounds = array<i64: 128, 10>}, {pipeline_mode = #tpu.pipeline_mode<synchronous>, transform_indices = @transform_2, window_bounds = array<i64: 1, 10>}, {transform_indices = @transform_3, window_bounds = array<i64: 1000, 10>}]} {
    %get3A = arith.constant 0 : index
    %get3A_0 = arith.constant 0 : index
    %get3A_1 = arith.constant 0 : index
    %get3A_2 = vector.load %arg1[%get3A, %get3A_0, %get3A_1] : memref<2x1000x128xf32, #tpu.memory_space<vmem>>, vector<1x1000x128xf32>
    %get3A_3 = vector.shape_cast %get3A_2 : vector<1x1000x128xf32> to vector<1000x128xf32>
    %get3A_4 = arith.constant 1 : index
    %get3A_5 = arith.constant 0 : index
    %get3A_6 = arith.constant 0 : index
    %get3A_7 = vector.load %arg1[%get3A_4, %get3A_5, %get3A_6] : memref<2x1000x128xf32, #tpu.memory_space<vmem>>, vector<1x1000x128xf32>
    %get3A_8 = vector.shape_cast %get3A_7 : vector<1x1000x128xf32> to vector<1000x128xf32>
    %add3A = arith.addf %get3A_3, %get3A_8 : vector<1000x128xf32>
    %max3A = arith.constant 0.000000e+00 : f32
    %max3A_9 = vector.broadcast %max3A : f32 to vector<1000x128xf32>
    %max3A_10 = arith.maximumf %add3A, %max3A_9 : vector<1000x128xf32>
    %transpose3A = tpu.transpose %max3A_10, [1, 0] : vector<1000x128xf32> -> vector<128x1000xf32>
    %mul3A = arith.mulf %transpose3A, %transpose3A : vector<128x1000xf32>
    %reduce_sum3A = arith.constant dense<0.000000e+00> : vector<1000xf32>
    %reduce_sum3A_11 = vector.multi_reduction <add>, %mul3A, %reduce_sum3A [0] : vector<128x1000xf32> to vector<1000xf32>
    %broadcast_in_dim3A = vector.shape_cast %reduce_sum3A_11 : vector<1000xf32> to vector<1x1000xf32>
    %max3A_12 = arith.constant 1.000000e-30 : f32
    %max3A_13 = vector.broadcast %max3A_12 : f32 to vector<1x1000xf32>
    %max3A_14 = arith.maximumf %broadcast_in_dim3A, %max3A_13 : vector<1x1000xf32>
    %rsqrt3A = math.rsqrt %max3A_14 : vector<1x1000xf32>
    %mul3A_15 = arith.mulf %broadcast_in_dim3A, %rsqrt3A : vector<1x1000xf32>
    %jit3A = arith.constant 0.000000e+00 : f32
    %jit3A_16 = arith.constant 0.999998986 : f32
    %max3A_17 = vector.broadcast %jit3A : f32 to vector<1x1000xf32>
    %max3A_18 = arith.maximumf %max3A_17, %mul3A_15 : vector<1x1000xf32>
    %min3A = vector.broadcast %jit3A_16 : f32 to vector<1x1000xf32>
    %min3A_19 = arith.minimumf %min3A, %max3A_18 : vector<1x1000xf32>
    %add3A_20 = arith.constant 1.000000e+00 : f32
    %add3A_21 = vector.broadcast %add3A_20 : f32 to vector<1x1000xf32>
    %add3A_22 = arith.addf %add3A_21, %min3A_19 : vector<1x1000xf32>
    %sub3A = arith.constant 1.000000e+00 : f32
    %sub3A_23 = vector.broadcast %sub3A : f32 to vector<1x1000xf32>
    %sub3A_24 = arith.subf %sub3A_23, %min3A_19 : vector<1x1000xf32>
    %div3A = arith.divf %add3A_22, %sub3A_24 : vector<1x1000xf32>
    %log3A = math.log %div3A : vector<1x1000xf32>
    %mul3A_25 = arith.constant 5.000000e-01 : f32
    %mul3A_26 = vector.broadcast %mul3A_25 : f32 to vector<1x1000xf32>
    %mul3A_27 = arith.mulf %mul3A_26, %log3A : vector<1x1000xf32>
    %mul3A_28 = arith.mulf %mul3A_27, %rsqrt3A : vector<1x1000xf32>
    %mul3A_29 = vector.broadcast %mul3A_28 : vector<1x1000xf32> to vector<128x1000xf32>
    %mul3A_30 = arith.mulf %transpose3A, %mul3A_29 : vector<128x1000xf32>
    %transpose3A_31 = tpu.transpose %mul3A_30, [1, 0] : vector<128x1000xf32> -> vector<1000x128xf32>
    %get3A_32 = arith.constant 0 : index
    %get3A_33 = arith.constant 0 : index
    %get3A_34 = vector.load %arg2[%get3A_32, %get3A_33] : memref<128x10xf32, #tpu.memory_space<vmem>>, vector<128x10xf32>
    %dot_general3A = arith.constant dense<0.000000e+00> : vector<1000x10xf32>
    %dot_general3A_35 = tpu.matmul %transpose3A_31, %get3A_34, %dot_general3A {dimension_numbers = #tpu.dot_dimension_numbers<[1], [0], [0], [1], [0, 0, 1, 1], [], []>, transpose_lhs_hint = false} : vector<1000x128xf32>, vector<128x10xf32>, vector<1000x10xf32> -> vector<1000x10xf32>
    %get3A_36 = arith.constant 0 : index
    %get3A_37 = arith.constant 0 : index
    %get3A_38 = vector.load %arg3[%get3A_36, %get3A_37] : memref<1x10xf32, #tpu.memory_space<vmem>>, vector<1x10xf32>
    %add3A_39 = vector.broadcast %get3A_38 : vector<1x10xf32> to vector<1000x10xf32>
    %add3A_40 = arith.addf %dot_general3A_35, %add3A_39 : vector<1000x10xf32>
    %swap3A = arith.constant 0 : index
    %swap3A_41 = arith.constant 0 : index
    %swap3A_42 = vector.load %arg4[%swap3A, %swap3A_41] : memref<1000x10xf32, #tpu.memory_space<vmem>>, vector<1000x10xf32>
    tpu.vector_store %arg4[%swap3A, %swap3A_41], %add3A_40 {strides = array<i32>} : memref<1000x10xf32, #tpu.memory_space<vmem>>, vector<1000x10xf32>,
    return
  }
  func.func @transform_0(%arg0: i32) -> (i32, i32, i32) {
    %c0_i32 = arith.constant 0 : i32
    %c0_i32_0 = arith.constant 0 : i32
    %c0_i32_1 = arith.constant 0 : i32
    return %c0_i32, %arg0, %c0_i32_0 : i32, i32, i32
  }
  func.func @transform_1(%arg0: i32) -> (i32, i32) {
    %c0_i32 = arith.constant 0 : i32
    %c0_i32_0 = arith.constant 0 : i32
    %c0_i32_1 = arith.constant 0 : i32
    return %c0_i32, %c0_i32_0 : i32, i32
  }
  func.func @transform_2(%arg0: i32) -> (i32, i32) {
    %c0_i32 = arith.constant 0 : i32
    %c0_i32_0 = arith.constant 0 : i32
    %c0_i32_1 = arith.constant 0 : i32
    return %c0_i32, %c0_i32_0 : i32, i32
  }
  func.func @transform_3(%arg0: i32) -> (i32, i32) {
    %c0_i32 = arith.constant 0 : i32
    %c0_i32_0 = arith.constant 0 : i32
    return %arg0, %c0_i32 : i32, i32
  }
}

</mosaic_0001>

<sc_bundles>
// kernel: kernel.10.cloned.1.call-start
scs
__scs_entry_jumppad:
0x0: {  	(pc) =	sbr.rel $0x88, $3  }
0x1: {  	(tag) =	ssettag $0x0;
	lr =	simm.s32 $0x1  }
0x2: {  	[smem:$0x3F99] =	sst lr;
	_ =	strace $0xD0000000  }
0x3: {  	_ = 	snop  }
0x4: {  	_ = 	snop  }
0x5: {  	_ = 	snop  }
0x6: {  	_ = 	snop  }
0x7: {  	_ = 	snop  }
__scs_overlays_trampoline_lowered:
0x8: {  	[smem:$0x3FA8] =	sst s0  }
0x9: {  	[smem:$0x3FA9] =	sst s1  }
0xa: {  	[smem:$0x3FAA] =	sst s2  }
0xb: {  	[smem:$0x3FAB] =	sst s3  }
0xc: {  	[smem:$0x3FAC] =	sst s4  }
0xd: {  	[smem:$0x3FAD] =	sst s5  }
0xe: {  	[smem:$0x3FAE] =	sst s6  }
0xf: {  	[smem:$0x3FAF] =	sst s7  }
0x10: {  	[smem:$0x3FB0] =	sst s8  }
0x11: {  	[smem:$0x3FB1] =	sst s9;
	s0 =	simm.s32 @!p0 $0x0  }
0x12: {  	s1 =	sld [smem:$0x3F97];
	s0 =	simm.s32 @p0 $0x1  }
0x13: {  	[smem:$0x3FB2] =	sst s0;
	s0 =	simm.s32 @!p1 $0x0  }
0x14: {  	s2 =	sld [smem:$0x3F96];
	s0 =	simm.s32 @p1 $0x1  }
0x15: {  	[smem:$0x3FB3] =	sst s0;
	s0 =	simm.s32 @!p2 $0x0  }
0x16: {  	s3 =	sld [smem:$0x3FDB];
	s0 =	simm.s32 @p2 $0x1  }
0x17: {  	s4 =	simm.s32 $0x1BF5;
	[smem:$0x3FB5] =	sst s0  }
0x18: {  	s0 =	sld [smem:$0x3F98];
	_ =	swait.ge [sflag:s4], $0x0  }
0x19: {  	s7 =	sld [smem:$0x3F99]  }
0x1a: {  	s8 =	sadd.s32 $0xFFFFE003, lr  }
0x1b: {  	s9 =	sadd.s32 $0xFFFFFEF7, lr;
	s5 =	simm.s32 $0xFFFFFFFF;
	p2 =	slt.u32 s8, $0xFFFFF086  }
0x1c: {  	p1 =	slt.u32 s9, $0xF7A;
	s5 =	simm.s32 @!p2 $0x0  }
0x1d: {  	s5 =	simm.s32 @p1 $0x1;
	p0 =	seq.s32 s7, s2  }
0x1e: {  	s7 =	smul.u32 @!p0 $0xF7A, s2;
	p2 =	seq.s32 @!p0 s5, $0x0  }
0x1f: {  	s9 =	smul.u32 $0xF7A, s1;
	s8 =	simm.s32 @!p0 $0x1BF5;
	p2 =	por !p2, p0  }
0x20: {  	[sflag:s8] =	ssyncset.s32 @!p0 $0xFFFFF086;
	s6 =	sadd.s32 @!p0 s3, s7;
	s7 =	simm.s32 @!p0 $0x108  }
0x21: {  	s3 =	sadd.s32 s3, s9;
	s6 =	sadd.s32 @!p0 $0x88, s6;
	s7 =	simm.s32 @p2 $0x1082  }
0x22: {  	[simem:s7], [sflag:s8] =	dma.local @!p0 [hbm:s6], $0xF7A  }
0x23: {  	s9 =	sor.u32 $0xD0000000, s2;
	s6 =	simm.s32 $0x108;
	_ =	swait.ge @!p0 [sflag:s8], $0x0  }
0x24: {  	s3 =	sadd.s32 $0x88, s3;
	s6 =	simm.s32 @!p1 $0x1082;
	[sflag:s4] =	ssyncset.s32 $0xFFFFF086  }
0x25: {  	[simem:s6], [sflag:s4] =	dma.local [hbm:s3], $0xF7A  }
0x26: {  	[smem:$0x3F99] =	sst s1;
	(tag) =	ssettag s2;
	_ =	strace s9  }
0x27: {  	s1 =	sld [smem:$0x3FA9]  }
0x28: {  	s2 =	sld [smem:$0x3FAA]  }
0x29: {  	s4 =	sld [smem:$0x3FAC]  }
0x2a: {  	p0 =	seq.s32 s5, $0x0;
	s5 =	sld [smem:$0x3FAD]  }
0x2b: {  	s6 =	sld [smem:$0x3FAE]  }
0x2c: {  	s7 =	sld [smem:$0x3FAF]  }
0x2d: {  	s3 =	simm.s32 $0x108;
	s8 =	sld [smem:$0x3FB0]  }
0x2e: {  	s3 =	simm.s32 @!p0 $0x1082;
	s9 =	sld [smem:$0x3FB1]  }
0x2f: {  	lr =	sadd.s32 s0, s3;
	s0 =	sld [smem:$0x3FA8]  }
0x30: {  	s3 =	sld [smem:$0x3FAB]  }
0x31: {  	[smem:$0x3FB4] =	sst s10  }
0x32: {  	s10 =	sld [smem:$0x3FB2];
	_ =	sdelay $0x3  }
0x33: {  	p0 =	seq.s32 s10, $0x1;
	s10 =	sld [smem:$0x3FB4];
	_ =	sdelay $0x3  }
0x34: {  	[smem:$0x3FB4] =	sst s10  }
0x35: {  	s10 =	sld [smem:$0x3FB3];
	_ =	sdelay $0x3  }
0x36: {  	p1 =	seq.s32 s10, $0x1;
	s10 =	sld [smem:$0x3FB4];
	_ =	sdelay $0x3  }
0x37: {  	[smem:$0x3FB4] =	sst s10  }
0x38: {  	s10 =	sld [smem:$0x3FB5]  }
0x39: {  	_ = 	snop;
	(pc) =	sbr.ind lr, $3  }
0x3a: {  	_ = 	snop  }
0x3b: {  	_ = 	snop  }
0x3c: {  	p2 =	seq.s32 s10, $0x1;
	s10 =	sld [smem:$0x3FB4]  }
0x3d: {  	_ =	shalt  }
0x3e: {  	_ =	shalt  }
0x3f: {  	_ =	shalt  }
0x40: {  	_ =	shalt  }
0x41: {  	_ =	shalt  }
0x42: {  	_ =	shalt  }
0x43: {  	_ =	shalt  }
0x44: {  	_ =	shalt  }
0x45: {  	_ =	shalt  }
0x46: {  	_ =	shalt  }
0x47: {  	_ =	shalt  }
0x48: {  	_ =	shalt  }
0x49: {  	_ =	shalt  }
0x4a: {  	_ =	shalt  }
0x4b: {  	_ =	shalt  }
0x4c: {  	_ =	shalt  }
0x4d: {  	_ =	shalt  }
0x4e: {  	_ =	shalt  }
0x4f: {  	_ =	shalt  }
0x50: {  	_ =	shalt  }
0x51: {  	_ =	shalt  }
0x52: {  	_ =	shalt  }
0x53: {  	_ =	shalt  }
0x54: {  	_ =	shalt  }
0x55: {  	_ =	shalt  }
0x56: {  	_ =	shalt  }
0x57: {  	_ =	shalt  }
0x58: {  	_ =	shalt  }
0x59: {  	_ =	shalt  }
0x5a: {  	_ =	shalt  }
0x5b: {  	_ =	shalt  }
0x5c: {  	_ =	shalt  }
0x5d: {  	_ =	shalt  }
0x5e: {  	_ =	shalt  }
0x5f: {  	_ =	shalt  }
0x60: {  	_ =	shalt  }
0x61: {  	_ =	shalt  }
0x62: {  	_ =	shalt  }
0x63: {  	_ =	shalt  }
0x64: {  	_ =	shalt  }
0x65: {  	_ =	shalt  }
0x66: {  	_ =	shalt  }
0x67: {  	_ =	shalt  }
0x68: {  	_ =	shalt  }
0x69: {  	_ =	shalt  }
0x6a: {  	_ =	shalt  }
0x6b: {  	_ =	shalt  }
0x6c: {  	_ =	shalt  }
0x6d: {  	_ =	shalt  }
0x6e: {  	_ =	shalt  }
0x6f: {  	_ =	shalt  }
0x70: {  	_ =	shalt  }
0x71: {  	_ =	shalt  }
0x72: {  	_ =	shalt  }
0x73: {  	_ =	shalt  }
0x74: {  	_ =	shalt  }
0x75: {  	_ =	shalt  }
0x76: {  	_ =	shalt  }
0x77: {  	_ =	shalt  }
0x78: {  	_ =	shalt  }
0x79: {  	_ =	shalt  }
0x7a: {  	_ =	shalt  }
0x7b: {  	_ =	shalt  }
0x7c: {  	_ =	shalt  }
0x7d: {  	_ =	shalt  }
0x7e: {  	_ =	shalt  }
0x7f: {  	_ =	shalt  }
0x80: {  	_ =	shalt  }
0x81: {  	_ =	shalt  }
0x82: {  	_ =	shalt  }
0x83: {  	_ =	shalt  }
0x84: {  	_ =	shalt  }
0x85: {  	_ =	shalt  }
0x86: {  	_ =	shalt  }
0x87: {  	_ =	shalt  }
.Lfunc_end0:
.L_simem_size_0:
called_computation.1_lowered:
.L_overlay_start_0:
0x88: {  	s2 =	sld [smem:$0x3FD9]  }
0x89: {  	s3 =	sld [smem:$0x3FFE];
	_ =	sdelay $0x1  }
0x8a: {  	s1 =	srdreg.scid  }
0x8b: {  	s0 =	sand.u32 $0x1, s1  }
0x8c: {  	s17 =	sshll.u32 s0, $0xA;
	s2 =	sadd.s32 s3, s2  }
0x8d: {  	s2 =	sadd.s32 s2, s17  }
0x8e: {  	[smem:$0x3FC0] =	sst s2  }
0x8f: {  	_ = 	snop  }
0x90: {  	s2 =	sld [smem:$0x3FC9];
	(tm) =	ssettm $0x1  }
0x91: {  	s18 =	sld [smem:$0x3FFB];
	_ =	sdelay $0x3  }
0x92: {  	_ =	strace s18  }
0x93: {  	s3 =	sld [smem:$0x3FFC];
	_ =	sdelay $0x3  }
0x94: {  	_ =	strace s3  }
0x95: {  	s3 =	sld [smem:$0x3FFD];
	_ =	sdelay $0x3  }
0x96: {  	_ =	strace s3  }
0x97: {  	_ =	strace $0x8FFFFFFF  }
0x98: {  	s19 =	sld [smem:$0x3FDB];
	_ =	sdelay $0x1  }
0x99: {  	s4 =	simm.s32 $_scs_section_size  }
0x9a: {  	s5 =	simm.s32 $_size__tile_overlayer_lowered;
	s6 =	simm.s32 $_tile_overlayer_lowered  }
0x9b: {  	s22 =	simm.s32 $0x1BFF;
	s21 =	sshll.u32 s6, $0x1;
	s3 =	sadd.s32 s4, s19  }
0x9c: {  	s7 =	simm.s32 $0x0;
	s20 =	sshll.u32 s5, $0x1;
	s5 =	sadd.s32 s21, s3  }
0x9d: {  	[timem:s7], [sflag:s22] =	dma.local [hbm:s5], s20  }
0x9e: {  	_ =	swait.ge [sflag:s22], s20  }
0x9f: {  	s4 =	ssub.s32 $0x0, s20;
	[sflag:s22] =	ssyncset.done $0x0  }
0xa0: {  	[sflag:s22] =	ssyncadd.s32 s4;
	_ =	sdelay $0x1  }
0xa1: {  	s23 =	simm.s32 $0x1B8B  }
0xa2: {  	_ =	swait.ge [sflag:s23], $0x1  }
0xa3: {  	[sflag:s23] =	ssyncset.done $0x0  }
0xa4: {  	s25 =	simm.s32 $0x1B8E;
	s24 =	sld [smem:$0x3FFE];
	[sflag:s23] =	ssyncadd.s32 $0xFFFFFFFF  }
0xa5: {  	s26 =	simm.s32 $execute0_lowered;
	[smem:$0x3FD2] =	sst s25  }
0xa6: {  	s5 =	sshll.u32 s26, $0x1;
	_ =	strace $0x80000049;
	[dreg:$0x1] =	wrdreg $0xFFFFFFFF  }
0xa7: {  	s28 =	simm.s32 $_size_execute0_lowered;
	s3 =	sadd.s32 s3, s5;
	[dreg:$0x0] =	wrdreg $0x0  }
0xa8: {  	s5 =	sshll.u32 s28, $0x1;
	[dreg:$0x2] =	wrdreg s3  }
0xa9: {  	[dreg:$0x3] =	wrdreg s5  }
0xaa: {  	[dreg:$0x4] =	wrdreg $0xC0  }
0xab: {  	_ =	task [dreg:s7], $0x5FFFF  }
0xac: {  	[dreg:$0x1] =	wrdreg $0xFFFFFFFF  }
0xad: {  	[dreg:$0x0] =	wrdreg $0x60  }
0xae: {  	[dreg:$0x2] =	wrdreg s24  }
0xaf: {  	[dreg:$0x3] =	wrdreg s2  }
0xb0: {  	[dreg:$0x4] =	wrdreg $0xC3000  }
0xb1: {  	[dreg:$0x5] =	wrdreg $0x9  }
0xb2: {  	_ =	task.clear_ibuf [dreg:s7], $0x6FFFF;
	_ =	strace $0x90000049  }
0xb3: {  	s29 =	simm.s32 $0x9;
	_ =	strace $0x8000004B  }
0xb4: {  	_ =	swait.ge [sflag:s29], $0x1  }
0xb5: {  	[sflag:s29] =	ssyncadd.s32 $0xFFFFFFFF  }
0xb6: {  	_ =	strace $0x9000004B  }
0xb7: {  	_ =	sfence  }
0xb8: {  	s30 =	sld [smem:$0x0];
	_ =	sdelay $0x2  }
0xb9: {  	s31 =	sshll.u32 s1, $0xD;
	s1 =	sshrl.u32 s1, $0x2  }
0xba: {  	s3 =	sand.u32 $0x4000, s31;
	s1 =	sadd.s32 s1, s30  }
0xbb: {  	s0 =	sor.u32 s3, s0;
	s1 =	sshll.u32 s1, $0x11  }
0xbc: {  	s0 =	sor.u32 s1, s0  }
0xbd: {  	s0 =	sadd.s32 $0x8F2B, s0  }
0xbe: {  	[sflag:s0] =	ssyncadd.remote.s32 $0x1  }
0xbf: {  	_ =	sfence.sel $0xFFFF  }
0xc0: {  	[dreg:$0x0] =	wrdreg $0xFFFFFFFF;
	(pc) =	sbr.abs _section_cstart, $3  }
0xc1: {  	[dreg:$0x1] =	wrdreg $0xFFFFFFFF  }
0xc2: {  	_ =	task.clear_ibuf [dreg:s7], $0x2FFFF;
	_ =	strace $0x9FFFFFFF  }
0xc3: {  	(tm) =	ssettm $0x7FFFFFFF  }
tec
execute0_lowered:
.L_overlay_start_1:
0x0: {  	(tag) =	ssettag $0x1  }
0x1: {  	s0 =	rddreg [dreg:$0x0]  }
0x2: {  	s3 =	rddreg [dreg:$0x1]  }
0x3: {  	s1 =	rddreg [dreg:$0x2]  }
0x4: {  	s2 =	simm.s32 $0x0;
	s5 =	srdreg.scid;
	s15 =	stileid.u32  }
0x5: {  	s28 =	simm.s32 $0x100;
	s29 =	simm.s32 $0x2;
	s30 =	simm.s32 $0x4300  }
0x6: {  	s31 =	simm.s32 $0x200;
	[smem:$0x7FF] =	sst s2;
	s4 =	sadd.s32 $0x1C00, s0  }
0x7: {  	s6 =	sand.u32 $0x1, s5;
	s9 =	sadd.s32 $0x28E00, s0;
	s23 =	sshll.u32 s15, $0x1  }
0x8: {  	s8 =	smul.u32 $0x270, s15;
	s10 =	smin.u32 s15, $0x2;
	s18 =	sshll.u32 s15, $0x6  }
0x9: {  	s19 =	sadd.s32 $0x20, s3;
	s22 =	sadd.s32 $0x40, s3;
	p0 =	sgt.u32 s15, $0x1  }
0xa: {  	_ =	strace $0x8000004A;
	s7 =	smul.u32 $0x27100, s6;
	s11 =	ssub.s32 $0x2, s6  }
0xb: {  	s12 =	sor.u32 s6, s23;
	s24 =	sshll.u32 s10, $0x3;
	[dreg:$0x9] =	wrdreg s19  }
0xc: {  	s10 =	sor.u32 $0x1C0A, s18;
	s23 =	smul.u32 $0x1380, s15;
	[dreg:$0xc] =	wrdreg s22  }
0xd: {  	s15 =	simm.s32 $0x8;
	s25 =	sshrl.u32 s11, $0x1;
	s8 =	sadd.s32 s8, s24  }
0xe: {  	s26 =	smul.u32 $0x9C0, s12;
	s12 =	sshll.u32 s12, $0x5;
	s0 =	sadd.s32 s7, s0  }
0xf: {  	s11 =	ssub.s32 s11, s25;
	s17 =	sshll.u32 s8, $0x7;
	s13 =	sadd.s32 $0x270, s8  }
0x10: {  	s8 =	sshll.u32 s8, $0x4;
	s21 =	sadd.s32 s12, s3;
	s25 =	smul.u32 $0x9C0, s6  }
0x11: {  	s6 =	simm.s32 $0x5;
	s12 =	simm.s32 $0x280;
	s16 =	sadd.s32 s3, s26  }
0x12: {  	s7 =	sadd.s32 s17, s1;
	s17 =	sadd.s32 s9, s8;
	[dreg:$0x4] =	wrdreg s26  }
0x13: {  	s14 =	sshll.u32 s13, $0x7;
	s13 =	sshll.u32 s13, $0x4;
	[dreg:$0x6] =	wrdreg s17  }
0x14: {  	s20 =	sadd.s32 s26, s19;
	s18 =	sadd.s32 $0x50000, s0;
	[dreg:$0x8] =	wrdreg s13  }
0x15: {  	s24 =	smax.u32 s11, $0x1;
	s5 =	sadd.s32 s26, s22;
	[dreg:$0xb] =	wrdreg s20  }
0x16: {  	s3 =	sadd.s32 s23, s3;
	s0 =	simm.s32 $0x4;
	[dreg:$0xe] =	wrdreg s24  }
0x17: {  	s11 =	simm.s32 $0x7;
	s19 =	simm.s32 $0x9;
	[dreg:$0xf] =	wrdreg s5  }
0x18: {  	s14 =	sadd.s32 s14, s1;
	s9 =	sadd.s32 s9, s13;
	[dreg:$0x5] =	wrdreg s16  }
0x19: {  	s26 =	sadd.s32 $0x60, s16;
	s22 =	sadd.s32 s25, s3;
	s24 =	simm.s32 $0x1  }
0x1a: {  	s25 =	simm.s32 $0x80;
	s3 =	simm.s32 $0x3;
	[dreg:$0x7] =	wrdreg s14  }
0x1b: {  	s17 =	simm.s32 $0x6;
	s13 =	simm.s32 $0x0;
	[dreg:$0xa] =	wrdreg s9  }
0x1c: {  	s9 =	sadd.s32 $0x13800, s21;
	[dreg:$0x10] =	wrdreg s26;
	s26 =	simm.s32 $0x300  }
0x1d: {  	s14 =	simm.s32 $0x180;
	[dreg:$0xd] =	wrdreg s9;
	s9 =	simm.s32 $0x8300  }
.LBB2_1:
0x1e: {  	s5 =	rddreg [dreg:$0x5]  }
0x1f: {  	s20 =	sshrl.u32 s7, $0x3;
	s16 =	rddreg [dreg:$0x6];
	s21 =	simm.s32 $0xA  }
0x20: {  	[tilespmem:s2], [sflag:$0x1] =	stream.linear.gather [hbm4b:s5+s2], $0x100, $0x38;
	[tilespmem:$0x1FB80] =	vst v63  }
0x21: {  	[spmem:s20], [sflag:s10] =	dma.local [hbm:s16], $0x2700  }
0x22: {  	_ =	swait.ge [sflag:s21], $0x2700  }
0x23: {  	[sflag:s21] =	ssyncset.done $0x0  }
0x24: {  	s5 =	rddreg [dreg:$0x7];
	[sflag:s21] =	ssyncadd.s32 $0xFFFFD900  }
0x25: {  	s20 =	sshrl.u32 @!p0 s5, $0x3;
	s5 =	rddreg [dreg:$0xa];
	s21 =	simm.s32 @!p0 $0xA  }
0x26: {  	[spmem:s20], [sflag:s10] =	dma.local @!p0 [hbm:s5], $0x80  }
0x27: {  	_ =	swait.ge @!p0 [sflag:s21], $0x80  }
0x28: {  	[sflag:s21] =	ssyncset.done @!p0 $0x0  }
0x29: {  	[sflag:s21] =	ssyncadd.s32 @!p0 $0xFFFFFF80  }
0x2a: {  	[bflag:$0x0] =	sbarrier.arrive $0xFFFF  }
0x2b: {  	_ =	swait.ge [sflag:s24], $0x100  }
0x2c: {  	[sflag:s24] =	ssyncset.done $0x0  }
0x2d: {  	[sflag:s24] =	ssyncadd.s32 $0xFFFFFF00  }
0x2e: {  	[tilespmem:s26], [sflag:$0x4] =	stream.indirect.gather [hbm4b:s4+s25], $0x80, s2, s25, $0xb8;
	[tilespmem:$0x1FB80] =	vst v63  }
0x2f: {  	s23 =	rddreg [dreg:$0xb]  }
0x30: {  	[tilespmem:s28], [sflag:$0x2] =	stream.linear.gather [hbm4b:s23+s2], $0x100, $0x38;
	[tilespmem:$0x1FB80] =	vst v63  }
0x31: {  	_ =	swait.ge [sflag:s29], $0x100  }
0x32: {  	[sflag:s29] =	ssyncset.done $0x0  }
0x33: {  	[sflag:s29] =	ssyncadd.s32 $0xFFFFFF00  }
0x34: {  	[tilespmem:s30], [sflag:$0x5] =	stream.indirect.gather [hbm4b:s4+s25], $0x80, s28, s25, $0xb8;
	[tilespmem:$0x1FB80] =	vst v63  }
0x35: {  	s16 =	rddreg [dreg:$0xf]  }
0x36: {  	[tilespmem:s31], [sflag:$0x3] =	stream.linear.gather [hbm4b:s16+s2], $0x100, $0x38;
	[tilespmem:$0x1FB80] =	vst v63  }
0x37: {  	_ =	swait.ge [sflag:s0], $0x4000  }
0x38: {  	[sflag:s0] =	ssyncset.done $0x0  }
0x39: {  	[sflag:s0] =	ssyncadd.s32 $0xFFFFC000  }
0x3a: {  	[spmem:s1] =	stream.indirect.scatter.add.f32 [tilespmem:s26], [sflag:$0x7], $0x80, s25, s25, $0xb8;
	[tilespmem:$0x1FB80] =	vst v63  }
0x3b: {  	_ =	swait.ge [sflag:s3], $0x100  }
0x3c: {  	[sflag:s3] =	ssyncset.done $0x0  }
0x3d: {  	[sflag:s3] =	ssyncadd.s32 $0xFFFFFF00  }
0x3e: {  	[tilespmem:s9], [sflag:$0x6] =	stream.indirect.gather [hbm4b:s4+s25], $0x80, s31, s25, $0xb8;
	[tilespmem:$0x1FB80] =	vst v63  }
0x3f: {  	_ =	swait.ge [sflag:s11], $0x4000  }
0x40: {  	[sflag:s11] =	ssyncset.done $0x0  }
0x41: {  	s21 =	rddreg [dreg:$0x10];
	[sflag:s11] =	ssyncadd.s32 $0xFFFFC000  }
0x42: {  	[tilespmem:s2], [sflag:$0x1] =	stream.linear.gather [hbm4b:s21+s2], $0x100, $0x38;
	[tilespmem:$0x1FB80] =	vst v63  }
0x43: {  	_ =	swait.ge [sflag:s6], $0x4000  }
0x44: {  	[sflag:s6] =	ssyncset.done $0x0  }
0x45: {  	[sflag:s6] =	ssyncadd.s32 $0xFFFFC000  }
0x46: {  	[spmem:s1] =	stream.indirect.scatter.add.f32 [tilespmem:s30], [sflag:$0x8], $0x80, s14, s25, $0xb8;
	[tilespmem:$0x1FB80] =	vst v63  }
0x47: {  	_ =	swait.ge [sflag:s24], $0x100  }
0x48: {  	[sflag:s24] =	ssyncset.done $0x0  }
0x49: {  	[sflag:s24] =	ssyncadd.s32 $0xFFFFFF00  }
0x4a: {  	[tilespmem:s26], [sflag:$0x4] =	stream.indirect.gather [hbm4b:s4+s25], $0x80, s2, s25, $0xb8;
	[tilespmem:$0x1FB80] =	vst v63  }
0x4b: {  	_ =	swait.ge [sflag:s15], $0x4000  }
0x4c: {  	s21 =	sadd.s32 $0xFFFFF700, s22;
	[sflag:s15] =	ssyncset.done $0x0  }
0x4d: {  	s23 =	sadd.s32 $0x980, s21;
	[sflag:s15] =	ssyncadd.s32 $0xFFFFC000  }
0x4e: {  	[tilespmem:s28], [sflag:$0x2] =	stream.linear.gather [hbm4b:s23+s2], $0x100, $0x38;
	[tilespmem:$0x1FB80] =	vst v63  }
0x4f: {  	_ =	swait.ge [sflag:s17], $0x4000  }
0x50: {  	[sflag:s17] =	ssyncset.done $0x0  }
0x51: {  	[sflag:s17] =	ssyncadd.s32 $0xFFFFC000  }
0x52: {  	[spmem:s1] =	stream.indirect.scatter.add.f32 [tilespmem:s9], [sflag:$0x9], $0x80, s12, s25, $0xb8;
	[tilespmem:$0x1FB80] =	vst v63  }
0x53: {  	_ =	swait.ge [sflag:s29], $0x100  }
0x54: {  	[sflag:s29] =	ssyncset.done $0x0  }
0x55: {  	[sflag:s29] =	ssyncadd.s32 $0xFFFFFF00  }
0x56: {  	[tilespmem:s30], [sflag:$0x5] =	stream.indirect.gather [hbm4b:s4+s25], $0x80, s28, s25, $0xb8;
	[tilespmem:$0x1FB80] =	vst v63  }
0x57: {  	_ =	swait.ge [sflag:s19], $0x4000  }
0x58: {  	[sflag:s19] =	ssyncset.done $0x0  }
0x59: {  	s16 =	sadd.s32 $0x9A0, s21;
	[sflag:s19] =	ssyncadd.s32 $0xFFFFC000  }
0x5a: {  	[tilespmem:s31], [sflag:$0x3] =	stream.linear.gather [hbm4b:s16+s2], $0x100, $0x38;
	[tilespmem:$0x1FB80] =	vst v63  }
0x5b: {  	_ =	swait.ge [sflag:s0], $0x4000  }
0x5c: {  	[sflag:s0] =	ssyncset.done $0x0  }
0x5d: {  	[sflag:s0] =	ssyncadd.s32 $0xFFFFC000  }
0x5e: {  	[spmem:s1] =	stream.indirect.scatter.add.f32 [tilespmem:s26], [sflag:$0x7], $0x80, s25, s25, $0xb8;
	[tilespmem:$0x1FB80] =	vst v63  }
0x5f: {  	_ =	swait.ge [sflag:s3], $0x100  }
0x60: {  	[sflag:s3] =	ssyncset.done $0x0  }
0x61: {  	[sflag:s3] =	ssyncadd.s32 $0xFFFFFF00  }
0x62: {  	[tilespmem:s9], [sflag:$0x6] =	stream.indirect.gather [hbm4b:s4+s25], $0x80, s31, s25, $0xb8;
	[tilespmem:$0x1FB80] =	vst v63  }
0x63: {  	_ =	swait.ge [sflag:s11], $0x4000  }
0x64: {  	[sflag:s11] =	ssyncset.done $0x0  }
0x65: {  	s23 =	sadd.s32 $0x9C0, s21;
	[sflag:s11] =	ssyncadd.s32 $0xFFFFC000  }
0x66: {  	[tilespmem:s2], [sflag:$0x1] =	stream.linear.gather [hbm4b:s23+s2], $0x100, $0x38;
	[tilespmem:$0x1FB80] =	vst v63  }
0x67: {  	_ =	swait.ge [sflag:s6], $0x4000  }
0x68: {  	[sflag:s6] =	ssyncset.done $0x0  }
0x69: {  	s21 =	simm.s32 $0xFFFFF760;
	[sflag:s6] =	ssyncadd.s32 $0xFFFFC000  }
.LBB2_2:
0x6a: {  	[spmem:s1] =	stream.indirect.scatter.add.f32 [tilespmem:s30], [sflag:$0x8], $0x80, s14, s25, $0xb8;
	[tilespmem:$0x1FB80] =	vst v63  }
0x6b: {  	s5 =	smov.u32 s21  }
0x6c: {  	p1 =	sne.s32 s21, $0xFFFFFFA0;
	s21 =	sadd.s32 $0x60, s21;
	_ =	swait.ge [sflag:s24], $0x100  }
0x6d: {  	[sflag:s24] =	ssyncset.done $0x0  }
0x6e: {  	[sflag:s24] =	ssyncadd.s32 $0xFFFFFF00  }
0x6f: {  	[tilespmem:s26], [sflag:$0x4] =	stream.indirect.gather [hbm4b:s4+s25], $0x80, s2, s25, $0xb8;
	[tilespmem:$0x1FB80] =	vst v63  }
0x70: {  	_ =	swait.ge [sflag:s15], $0x4000  }
0x71: {  	s5 =	sadd.s32 s5, s22;
	[sflag:s15] =	ssyncset.done $0x0  }
0x72: {  	s16 =	sadd.s32 $0x980, s5;
	[sflag:s15] =	ssyncadd.s32 $0xFFFFC000  }
0x73: {  	[tilespmem:s28], [sflag:$0x2] =	stream.linear.gather [hbm4b:s16+s2], $0x100, $0x38;
	[tilespmem:$0x1FB80] =	vst v63  }
0x74: {  	_ =	swait.ge [sflag:s17], $0x4000  }
0x75: {  	[sflag:s17] =	ssyncset.done $0x0  }
0x76: {  	[sflag:s17] =	ssyncadd.s32 $0xFFFFC000  }
0x77: {  	[spmem:s1] =	stream.indirect.scatter.add.f32 [tilespmem:s9], [sflag:$0x9], $0x80, s12, s25, $0xb8;
	[tilespmem:$0x1FB80] =	vst v63  }
0x78: {  	_ =	swait.ge [sflag:s29], $0x100  }
0x79: {  	[sflag:s29] =	ssyncset.done $0x0  }
0x7a: {  	[sflag:s29] =	ssyncadd.s32 $0xFFFFFF00  }
0x7b: {  	[tilespmem:s30], [sflag:$0x5] =	stream.indirect.gather [hbm4b:s4+s25], $0x80, s28, s25, $0xb8;
	[tilespmem:$0x1FB80] =	vst v63  }
0x7c: {  	_ =	swait.ge [sflag:s19], $0x4000  }
0x7d: {  	[sflag:s19] =	ssyncset.done $0x0  }
0x7e: {  	s16 =	sadd.s32 $0x9A0, s5;
	[sflag:s19] =	ssyncadd.s32 $0xFFFFC000  }
0x7f: {  	[tilespmem:s31], [sflag:$0x3] =	stream.linear.gather [hbm4b:s16+s2], $0x100, $0x38;
	[tilespmem:$0x1FB80] =	vst v63  }
0x80: {  	_ =	swait.ge [sflag:s0], $0x4000  }
0x81: {  	[sflag:s0] =	ssyncset.done $0x0  }
0x82: {  	[sflag:s0] =	ssyncadd.s32 $0xFFFFC000  }
0x83: {  	[spmem:s1] =	stream.indirect.scatter.add.f32 [tilespmem:s26], [sflag:$0x7], $0x80, s25, s25, $0xb8;
	[tilespmem:$0x1FB80] =	vst v63  }
0x84: {  	_ =	swait.ge [sflag:s3], $0x100  }
0x85: {  	[sflag:s3] =	ssyncset.done $0x0  }
0x86: {  	[sflag:s3] =	ssyncadd.s32 $0xFFFFFF00  }
0x87: {  	[tilespmem:s9], [sflag:$0x6] =	stream.indirect.gather [hbm4b:s4+s25], $0x80, s31, s25, $0xb8;
	[tilespmem:$0x1FB80] =	vst v63  }
0x88: {  	_ =	swait.ge [sflag:s11], $0x4000  }
0x89: {  	[sflag:s11] =	ssyncset.done $0x0  }
.Ltmp0:
0x8a: {  	s5 =	sadd.s32 $0x9C0, s5;
	[sflag:s11] =	ssyncadd.s32 $0xFFFFC000;
	(pc) =	sbr.rel @p1 .LBB2_2-.Ltmp0, $4  }
0x8b: {  	[tilespmem:s2], [sflag:$0x1] =	stream.linear.gather [hbm4b:s5+s2], $0x100, $0x38;
	[tilespmem:$0x1FB80] =	vst v63  }
0x8c: {  	_ =	swait.ge [sflag:s6], $0x4000  }
0x8d: {  	[sflag:s6] =	ssyncset.done $0x0  }
0x8e: {  	[sflag:s6] =	ssyncadd.s32 $0xFFFFC000  }
0x8f: {  	[spmem:s1] =	stream.indirect.scatter.add.f32 [tilespmem:s30], [sflag:$0x8], $0x80, s14, s25, $0xb8;
	[tilespmem:$0x1FB80] =	vst v63  }
0x90: {  	_ =	swait.ge [sflag:s24], $0x100  }
0x91: {  	[sflag:s24] =	ssyncset.done $0x0  }
0x92: {  	[sflag:s24] =	ssyncadd.s32 $0xFFFFFF00  }
0x93: {  	[tilespmem:s26], [sflag:$0x4] =	stream.indirect.gather [hbm4b:s4+s25], $0x80, s2, s25, $0xb8;
	[tilespmem:$0x1FB80] =	vst v63  }
0x94: {  	_ =	swait.ge [sflag:s15], $0x4000  }
0x95: {  	s5 =	rddreg [dreg:$0x4]  }
0x96: {  	[sflag:s15] =	ssyncset.done $0x0;
	s16 =	rddreg [dreg:$0x9];
	s5 =	sadd.s32 $0x960, s5  }
0x97: {  	[sflag:s15] =	ssyncadd.s32 $0xFFFFC000;
	s16 =	sadd.s32 s5, s16  }
0x98: {  	[tilespmem:s28], [sflag:$0x2] =	stream.linear.gather [hbm4b:s16+s2], $0x100, $0x38;
	[tilespmem:$0x1FB80] =	vst v63  }
0x99: {  	_ =	swait.ge [sflag:s17], $0x4000  }
0x9a: {  	[sflag:s17] =	ssyncset.done $0x0  }
0x9b: {  	[sflag:s17] =	ssyncadd.s32 $0xFFFFC000  }
0x9c: {  	[spmem:s1] =	stream.indirect.scatter.add.f32 [tilespmem:s9], [sflag:$0x9], $0x80, s12, s25, $0xb8;
	[tilespmem:$0x1FB80] =	vst v63  }
0x9d: {  	_ =	swait.ge [sflag:s29], $0x100  }
0x9e: {  	[sflag:s29] =	ssyncset.done $0x0  }
0x9f: {  	[sflag:s29] =	ssyncadd.s32 $0xFFFFFF00  }
0xa0: {  	[tilespmem:s30], [sflag:$0x5] =	stream.indirect.gather [hbm4b:s4+s25], $0x80, s28, s25, $0xb8;
	[tilespmem:$0x1FB80] =	vst v63  }
0xa1: {  	_ =	swait.ge [sflag:s19], $0x4000  }
0xa2: {  	[sflag:s19] =	ssyncset.done $0x0;
	s21 =	rddreg [dreg:$0xc]  }
0xa3: {  	[sflag:s19] =	ssyncadd.s32 $0xFFFFC000;
	s5 =	sadd.s32 s5, s21  }
0xa4: {  	[tilespmem:s31], [sflag:$0x3] =	stream.linear.gather [hbm4b:s5+s2], $0x100, $0x38;
	[tilespmem:$0x1FB80] =	vst v63  }
0xa5: {  	_ =	swait.ge [sflag:s0], $0x4000  }
0xa6: {  	[sflag:s0] =	ssyncset.done $0x0  }
0xa7: {  	[sflag:s0] =	ssyncadd.s32 $0xFFFFC000  }
0xa8: {  	[spmem:s1] =	stream.indirect.scatter.add.f32 [tilespmem:s26], [sflag:$0x7], $0x80, s25, s25, $0xb8;
	[tilespmem:$0x1FB80] =	vst v63  }
0xa9: {  	_ =	swait.ge [sflag:s3], $0x100  }
0xaa: {  	[sflag:s3] =	ssyncset.done $0x0  }
0xab: {  	[sflag:s3] =	ssyncadd.s32 $0xFFFFFF00  }
0xac: {  	[tilespmem:s9], [sflag:$0x6] =	stream.indirect.gather [hbm4b:s4+s25], $0x80, s31, s25, $0xb8;
	[tilespmem:$0x1FB80] =	vst v63  }
0xad: {  	_ =	swait.ge [sflag:s11], $0x4000  }
0xae: {  	[sflag:s11] =	ssyncset.done $0x0  }
0xaf: {  	[sflag:s11] =	ssyncadd.s32 $0xFFFFC000  }
0xb0: {  	_ =	swait.ge [sflag:s6], $0x4000  }
0xb1: {  	[sflag:s6] =	ssyncset.done $0x0  }
0xb2: {  	[sflag:s6] =	ssyncadd.s32 $0xFFFFC000  }
0xb3: {  	[spmem:s1] =	stream.indirect.scatter.add.f32 [tilespmem:s30], [sflag:$0x8], $0x80, s14, s25, $0xb8;
	[tilespmem:$0x1FB80] =	vst v63  }
0xb4: {  	_ =	swait.ge [sflag:s17], $0x4000  }
0xb5: {  	[sflag:s17] =	ssyncset.done $0x0  }
0xb6: {  	[sflag:s17] =	ssyncadd.s32 $0xFFFFC000  }
0xb7: {  	[spmem:s1] =	stream.indirect.scatter.add.f32 [tilespmem:s9], [sflag:$0x9], $0x80, s12, s25, $0xb8;
	[tilespmem:$0x1FB80] =	vst v63  }
0xb8: {  	_ =	swait.ge [sflag:s15], $0x4000  }
0xb9: {  	[sflag:s15] =	ssyncset.done $0x0  }
0xba: {  	[sflag:s15] =	ssyncadd.s32 $0xFFFFC000  }
0xbb: {  	_ =	swait.ge [sflag:s19], $0x4000  }
0xbc: {  	[sflag:s19] =	ssyncset.done $0x0  }
0xbd: {  	[sflag:s19] =	ssyncadd.s32 $0xFFFFC000  }
0xbe: {  	s16 =	sshrl.u32 @p0 s7, $0x3;
	s5 =	sadd.s32 @p0 s8, s18;
	[bflag:$0x0] =	sbarrier.arrive @p0 $0xFFFF  }
0xbf: {  	[hbm:s5], [sflag:s10] =	dma.local @p0 [spmem:s16], $0x2700  }
0xc0: {  	s5 =	simm.s32 @p0 $0xA  }
0xc1: {  	_ =	swait.ge @p0 [sflag:s5], $0x2700  }
0xc2: {  	[sflag:s5] =	ssyncset.done @p0 $0x0  }
0xc3: {  	s16 =	rddreg [dreg:$0xd];
	[sflag:s5] =	ssyncadd.s32 @p0 $0xFFFFD900;
	s5 =	simm.s32 @!p0 $0x0  }
0xc4: {  	[tilespmem:s5], [sflag:$0xA] =	stream.linear.gather @!p0 [hbm4b:s16+s5], $0x100, $0x38;
	[tilespmem:$0x1FB80] =	vst v63  }
0xc5: {  	s16 =	simm.s32 @!p0 $0xA  }
0xc6: {  	_ =	swait.ge @!p0 [sflag:s16], $0x100  }
0xc7: {  	[sflag:s16] =	ssyncset.done @!p0 $0x0  }
0xc8: {  	s23 =	simm.s32 @!p0 $0x300;
	s21 =	simm.s32 @!p0 $0x80;
	[sflag:s16] =	ssyncadd.s32 @!p0 $0xFFFFFF00  }
0xc9: {  	[tilespmem:s23], [sflag:$0x4] =	stream.indirect.gather @!p0 [hbm4b:s4+s21], $0x80, s5, s21, $0xb8;
	[tilespmem:$0x1FB80] =	vst v63  }
0xca: {  	s5 =	simm.s32 @!p0 $0x4  }
0xcb: {  	_ =	swait.ge @!p0 [sflag:s5], $0x4000  }
0xcc: {  	[sflag:s5] =	ssyncset.done @!p0 $0x0  }
0xcd: {  	[sflag:s5] =	ssyncadd.s32 @!p0 $0xFFFFC000  }
0xce: {  	[spmem:s1] =	stream.indirect.scatter.add.f32 @!p0 [tilespmem:s23], [sflag:$0xA], $0x80, s21, s21, $0xb8;
	[tilespmem:$0x1FB80] =	vst v63  }
0xcf: {  	_ =	swait.ge @!p0 [sflag:s16], $0x4000  }
0xd0: {  	[sflag:s16] =	ssyncset.done @!p0 $0x0  }
0xd1: {  	[sflag:s16] =	ssyncadd.s32 @!p0 $0xFFFFC000  }
0xd2: {  	s5 =	sadd.s32 @!p0 s8, s18;
	s21 =	sshrl.u32 @!p0 s7, $0x3;
	[bflag:$0x0] =	sbarrier.arrive @!p0 $0xFFFF  }
0xd3: {  	[hbm:s5], [sflag:s10] =	dma.local @!p0 [spmem:s21], $0x2700  }
0xd4: {  	_ =	swait.ge @!p0 [sflag:s16], $0x2700  }
0xd5: {  	[sflag:s16] =	ssyncset.done @!p0 $0x0;
	s5 =	rddreg [dreg:$0x8]  }
0xd6: {  	[sflag:s16] =	ssyncadd.s32 @!p0 $0xFFFFD900;
	s5 =	sadd.s32 @!p0 s5, s18  }
0xd7: {  	[hbm:s5], [sflag:s10] =	dma.local @!p0 [spmem:s20], $0x80  }
0xd8: {  	_ =	swait.ge @!p0 [sflag:s16], $0x80  }
0xd9: {  	s13 =	sadd.s32 $0x1, s13;
	s23 =	rddreg [dreg:$0xe]  }
0xda: {  	p1 =	sne.s32 s13, s23  }
.Ltmp1:
0xdb: {  	_ = 	snop;
	(pc) =	sbr.rel @p1 .LBB2_1-.Ltmp1, $3  }
0xdc: {  	_ =	sdelay $0x1  }
0xdd: {  	[sflag:s16] =	ssyncset.done @!p0 $0x0  }
0xde: {  	[sflag:s16] =	ssyncadd.s32 @!p0 $0xFFFFFF80  }
0xdf: {  	_ =	sfence.sel $0x180000  }
0xe0: {  	[bflag:$0x0] =	sbarrier.arrive $0xFFFF  }
0xe1: {  	_ =	strace $0x9000004A  }
0xe2: {  	s0 =	stileid.u32;
	[bflag:$0x2] =	sbarrier.arrive $0xFFFF  }
0xe3: {  	p0 =	sne.s32 s0, $0x0;
	s0 =	rddreg [dreg:$0x3]  }
0xe4: {  	s0 =	sadd.s32 @!p0 $0x100000, s0  }
0xe5: {  	[sflag:s0] =	ssyncadd.tile.s32 @!p0 $0x1;
	_ =	shalt  }
.Lfunc_end2:
_tile_overlayer_lowered:
.L_overlay_start_2:
0xe6: {  	(tag) =	ssettag $0x2  }
0xe7: {  	s0 =	rddreg [dreg:$0x0];
	s2 =	stileid.u32  }
0xe8: {  	s1 =	rddreg [dreg:$0x1];
	p0 =	sne.s32 s2, $0x0  }
0xe9: {  	s3 =	rddreg [dreg:$0x2];
	[bflag:$0x3] =	sbarrier.arrive $0xFFFF;
	s2 =	simm.s32 @!p0 $0x1C0A  }
0xea: {  	[timem:s3], [sflag:s2] =	dma.local @!p0 [hbm:s0], s1  }
0xeb: {  	s0 =	simm.s32 @!p0 $0xA  }
0xec: {  	_ =	swait.ge @!p0 [sflag:s0], s1  }
0xed: {  	s1 =	ssub.s32 @!p0 $0x0, s1;
	[sflag:s0] =	ssyncset.done @!p0 $0x0  }
0xee: {  	[sflag:s0] =	ssyncadd.s32 @!p0 s1  }
0xef: {  	[bflag:$0x3] =	sbarrier.arrive $0xFFFF  }
0xf0: {  	_ =	shalt  }

// kernel: kernel.7.cloned.1.call-start
scs
__scs_entry_jumppad:
0x0: {  	(pc) =	sbr.rel $0x88, $3  }
0x1: {  	(tag) =	ssettag $0x0;
	lr =	simm.s32 $0x1  }
0x2: {  	[smem:$0x3F99] =	sst lr;
	_ =	strace $0xD0000000  }
0x3: {  	_ = 	snop  }
0x4: {  	_ = 	snop  }
0x5: {  	_ = 	snop  }
0x6: {  	_ = 	snop  }
0x7: {  	_ = 	snop  }
__scs_overlays_trampoline_lowered:
0x8: {  	[smem:$0x3FA8] =	sst s0  }
0x9: {  	[smem:$0x3FA9] =	sst s1  }
0xa: {  	[smem:$0x3FAA] =	sst s2  }
0xb: {  	[smem:$0x3FAB] =	sst s3  }
0xc: {  	[smem:$0x3FAC] =	sst s4  }
0xd: {  	[smem:$0x3FAD] =	sst s5  }
0xe: {  	[smem:$0x3FAE] =	sst s6  }
0xf: {  	[smem:$0x3FAF] =	sst s7  }
0x10: {  	[smem:$0x3FB0] =	sst s8  }
0x11: {  	[smem:$0x3FB1] =	sst s9;
	s0 =	simm.s32 @!p0 $0x0  }
0x12: {  	s1 =	sld [smem:$0x3F97];
	s0 =	simm.s32 @p0 $0x1  }
0x13: {  	[smem:$0x3FB2] =	sst s0;
	s0 =	simm.s32 @!p1 $0x0  }
0x14: {  	s2 =	sld [smem:$0x3F96];
	s0 =	simm.s32 @p1 $0x1  }
0x15: {  	[smem:$0x3FB3] =	sst s0;
	s0 =	simm.s32 @!p2 $0x0  }
0x16: {  	s3 =	sld [smem:$0x3FDB];
	s0 =	simm.s32 @p2 $0x1  }
0x17: {  	s4 =	simm.s32 $0x1BF5;
	[smem:$0x3FB5] =	sst s0  }
0x18: {  	s0 =	sld [smem:$0x3F98];
	_ =	swait.ge [sflag:s4], $0x0  }
0x19: {  	s7 =	sld [smem:$0x3F99]  }
0x1a: {  	s8 =	sadd.s32 $0xFFFFE003, lr  }
0x1b: {  	s9 =	sadd.s32 $0xFFFFFEF7, lr;
	s5 =	simm.s32 $0xFFFFFFFF;
	p2 =	slt.u32 s8, $0xFFFFF086  }
0x1c: {  	p1 =	slt.u32 s9, $0xF7A;
	s5 =	simm.s32 @!p2 $0x0  }
0x1d: {  	s5 =	simm.s32 @p1 $0x1;
	p0 =	seq.s32 s7, s2  }
0x1e: {  	s7 =	smul.u32 @!p0 $0xF7A, s2;
	p2 =	seq.s32 @!p0 s5, $0x0  }
0x1f: {  	s9 =	smul.u32 $0xF7A, s1;
	s8 =	simm.s32 @!p0 $0x1BF5;
	p2 =	por !p2, p0  }
0x20: {  	[sflag:s8] =	ssyncset.s32 @!p0 $0xFFFFF086;
	s6 =	sadd.s32 @!p0 s3, s7;
	s7 =	simm.s32 @!p0 $0x108  }
0x21: {  	s3 =	sadd.s32 s3, s9;
	s6 =	sadd.s32 @!p0 $0x88, s6;
	s7 =	simm.s32 @p2 $0x1082  }
0x22: {  	[simem:s7], [sflag:s8] =	dma.local @!p0 [hbm:s6], $0xF7A  }
0x23: {  	s9 =	sor.u32 $0xD0000000, s2;
	s6 =	simm.s32 $0x108;
	_ =	swait.ge @!p0 [sflag:s8], $0x0  }
0x24: {  	s3 =	sadd.s32 $0x88, s3;
	s6 =	simm.s32 @!p1 $0x1082;
	[sflag:s4] =	ssyncset.s32 $0xFFFFF086  }
0x25: {  	[simem:s6], [sflag:s4] =	dma.local [hbm:s3], $0xF7A  }
0x26: {  	[smem:$0x3F99] =	sst s1;
	(tag) =	ssettag s2;
	_ =	strace s9  }
0x27: {  	s1 =	sld [smem:$0x3FA9]  }
0x28: {  	s2 =	sld [smem:$0x3FAA]  }
0x29: {  	s4 =	sld [smem:$0x3FAC]  }
0x2a: {  	p0 =	seq.s32 s5, $0x0;
	s5 =	sld [smem:$0x3FAD]  }
0x2b: {  	s6 =	sld [smem:$0x3FAE]  }
0x2c: {  	s7 =	sld [smem:$0x3FAF]  }
0x2d: {  	s3 =	simm.s32 $0x108;
	s8 =	sld [smem:$0x3FB0]  }
0x2e: {  	s3 =	simm.s32 @!p0 $0x1082;
	s9 =	sld [smem:$0x3FB1]  }
0x2f: {  	lr =	sadd.s32 s0, s3;
	s0 =	sld [smem:$0x3FA8]  }
0x30: {  	s3 =	sld [smem:$0x3FAB]  }
0x31: {  	[smem:$0x3FB4] =	sst s10  }
0x32: {  	s10 =	sld [smem:$0x3FB2];
	_ =	sdelay $0x3  }
0x33: {  	p0 =	seq.s32 s10, $0x1;
	s10 =	sld [smem:$0x3FB4];
	_ =	sdelay $0x3  }
0x34: {  	[smem:$0x3FB4] =	sst s10  }
0x35: {  	s10 =	sld [smem:$0x3FB3];
	_ =	sdelay $0x3  }
0x36: {  	p1 =	seq.s32 s10, $0x1;
	s10 =	sld [smem:$0x3FB4];
	_ =	sdelay $0x3  }
0x37: {  	[smem:$0x3FB4] =	sst s10  }
0x38: {  	s10 =	sld [smem:$0x3FB5]  }
0x39: {  	_ = 	snop;
	(pc) =	sbr.ind lr, $3  }
0x3a: {  	_ = 	snop  }
0x3b: {  	_ = 	snop  }
0x3c: {  	p2 =	seq.s32 s10, $0x1;
	s10 =	sld [smem:$0x3FB4]  }
0x3d: {  	_ =	shalt  }
0x3e: {  	_ =	shalt  }
0x3f: {  	_ =	shalt  }
0x40: {  	_ =	shalt  }
0x41: {  	_ =	shalt  }
0x42: {  	_ =	shalt  }
0x43: {  	_ =	shalt  }
0x44: {  	_ =	shalt  }
0x45: {  	_ =	shalt  }
0x46: {  	_ =	shalt  }
0x47: {  	_ =	shalt  }
0x48: {  	_ =	shalt  }
0x49: {  	_ =	shalt  }
0x4a: {  	_ =	shalt  }
0x4b: {  	_ =	shalt  }
0x4c: {  	_ =	shalt  }
0x4d: {  	_ =	shalt  }
0x4e: {  	_ =	shalt  }
0x4f: {  	_ =	shalt  }
0x50: {  	_ =	shalt  }
0x51: {  	_ =	shalt  }
0x52: {  	_ =	shalt  }
0x53: {  	_ =	shalt  }
0x54: {  	_ =	shalt  }
0x55: {  	_ =	shalt  }
0x56: {  	_ =	shalt  }
0x57: {  	_ =	shalt  }
0x58: {  	_ =	shalt  }
0x59: {  	_ =	shalt  }
0x5a: {  	_ =	shalt  }
0x5b: {  	_ =	shalt  }
0x5c: {  	_ =	shalt  }
0x5d: {  	_ =	shalt  }
0x5e: {  	_ =	shalt  }
0x5f: {  	_ =	shalt  }
0x60: {  	_ =	shalt  }
0x61: {  	_ =	shalt  }
0x62: {  	_ =	shalt  }
0x63: {  	_ =	shalt  }
0x64: {  	_ =	shalt  }
0x65: {  	_ =	shalt  }
0x66: {  	_ =	shalt  }
0x67: {  	_ =	shalt  }
0x68: {  	_ =	shalt  }
0x69: {  	_ =	shalt  }
0x6a: {  	_ =	shalt  }
0x6b: {  	_ =	shalt  }
0x6c: {  	_ =	shalt  }
0x6d: {  	_ =	shalt  }
0x6e: {  	_ =	shalt  }
0x6f: {  	_ =	shalt  }
0x70: {  	_ =	shalt  }
0x71: {  	_ =	shalt  }
0x72: {  	_ =	shalt  }
0x73: {  	_ =	shalt  }
0x74: {  	_ =	shalt  }
0x75: {  	_ =	shalt  }
0x76: {  	_ =	shalt  }
0x77: {  	_ =	shalt  }
0x78: {  	_ =	shalt  }
0x79: {  	_ =	shalt  }
0x7a: {  	_ =	shalt  }
0x7b: {  	_ =	shalt  }
0x7c: {  	_ =	shalt  }
0x7d: {  	_ =	shalt  }
0x7e: {  	_ =	shalt  }
0x7f: {  	_ =	shalt  }
0x80: {  	_ =	shalt  }
0x81: {  	_ =	shalt  }
0x82: {  	_ =	shalt  }
0x83: {  	_ =	shalt  }
0x84: {  	_ =	shalt  }
0x85: {  	_ =	shalt  }
0x86: {  	_ =	shalt  }
0x87: {  	_ =	shalt  }
.Lfunc_end0:
.L_simem_size_0:
called_computation_lowered:
.L_overlay_start_0:
0x88: {  	s2 =	sld [smem:$0x3FD9]  }
0x89: {  	s3 =	sld [smem:$0x3FFE];
	_ =	sdelay $0x1  }
0x8a: {  	s1 =	srdreg.scid  }
0x8b: {  	s0 =	sand.u32 $0x1, s1  }
0x8c: {  	s17 =	sshll.u32 s0, $0xA;
	s2 =	sadd.s32 s3, s2  }
0x8d: {  	s2 =	sadd.s32 s2, s17  }
0x8e: {  	[smem:$0x3FC0] =	sst s2  }
0x8f: {  	_ = 	snop  }
0x90: {  	s2 =	sld [smem:$0x3FC9];
	(tm) =	ssettm $0x1  }
0x91: {  	s18 =	sld [smem:$0x3FFB];
	_ =	sdelay $0x3  }
0x92: {  	_ =	strace s18  }
0x93: {  	s3 =	sld [smem:$0x3FFC];
	_ =	sdelay $0x3  }
0x94: {  	_ =	strace s3  }
0x95: {  	s3 =	sld [smem:$0x3FFD];
	_ =	sdelay $0x3  }
0x96: {  	_ =	strace s3  }
0x97: {  	_ =	strace $0x8FFFFFFF  }
0x98: {  	s19 =	sld [smem:$0x3FDB];
	_ =	sdelay $0x1  }
0x99: {  	s4 =	simm.s32 $_scs_section_size  }
0x9a: {  	s5 =	simm.s32 $_size__tile_overlayer_lowered;
	s6 =	simm.s32 $_tile_overlayer_lowered  }
0x9b: {  	s22 =	simm.s32 $0x1BFF;
	s21 =	sshll.u32 s6, $0x1;
	s3 =	sadd.s32 s4, s19  }
0x9c: {  	s7 =	simm.s32 $0x0;
	s20 =	sshll.u32 s5, $0x1;
	s5 =	sadd.s32 s21, s3  }
0x9d: {  	[timem:s7], [sflag:s22] =	dma.local [hbm:s5], s20  }
0x9e: {  	_ =	swait.ge [sflag:s22], s20  }
0x9f: {  	s4 =	ssub.s32 $0x0, s20;
	[sflag:s22] =	ssyncset.done $0x0  }
0xa0: {  	[sflag:s22] =	ssyncadd.s32 s4;
	_ =	sdelay $0x1  }
0xa1: {  	s23 =	simm.s32 $0x1B8B  }
0xa2: {  	_ =	swait.ge [sflag:s23], $0x1  }
0xa3: {  	[sflag:s23] =	ssyncset.done $0x0  }
0xa4: {  	s25 =	simm.s32 $0x1B8E;
	s24 =	sld [smem:$0x3FFE];
	[sflag:s23] =	ssyncadd.s32 $0xFFFFFFFF  }
0xa5: {  	s26 =	simm.s32 $execute0_lowered;
	[smem:$0x3FD2] =	sst s25  }
0xa6: {  	s5 =	sshll.u32 s26, $0x1;
	_ =	strace $0x80000046;
	[dreg:$0x1] =	wrdreg $0xFFFFFFFF  }
0xa7: {  	s28 =	simm.s32 $_size_execute0_lowered;
	s3 =	sadd.s32 s3, s5;
	[dreg:$0x0] =	wrdreg $0x0  }
0xa8: {  	s5 =	sshll.u32 s28, $0x1;
	[dreg:$0x2] =	wrdreg s3  }
0xa9: {  	[dreg:$0x3] =	wrdreg s5  }
0xaa: {  	[dreg:$0x4] =	wrdreg $0xC0  }
0xab: {  	_ =	task [dreg:s7], $0x5FFFF  }
0xac: {  	[dreg:$0x1] =	wrdreg $0xFFFFFFFF  }
0xad: {  	[dreg:$0x0] =	wrdreg $0x60  }
0xae: {  	[dreg:$0x2] =	wrdreg s24  }
0xaf: {  	[dreg:$0x3] =	wrdreg s2  }
0xb0: {  	[dreg:$0x4] =	wrdreg $0xC3000  }
0xb1: {  	[dreg:$0x5] =	wrdreg $0x9  }
0xb2: {  	_ =	task.clear_ibuf [dreg:s7], $0x6FFFF;
	_ =	strace $0x90000046  }
0xb3: {  	s29 =	simm.s32 $0x9;
	_ =	strace $0x80000048  }
0xb4: {  	_ =	swait.ge [sflag:s29], $0x1  }
0xb5: {  	[sflag:s29] =	ssyncadd.s32 $0xFFFFFFFF  }
0xb6: {  	_ =	strace $0x90000048  }
0xb7: {  	_ =	sfence  }
0xb8: {  	s30 =	sld [smem:$0x0];
	_ =	sdelay $0x2  }
0xb9: {  	s31 =	sshll.u32 s1, $0xD;
	s1 =	sshrl.u32 s1, $0x2  }
0xba: {  	s3 =	sand.u32 $0x4000, s31;
	s1 =	sadd.s32 s1, s30  }
0xbb: {  	s0 =	sor.u32 s3, s0;
	s1 =	sshll.u32 s1, $0x11  }
0xbc: {  	s0 =	sor.u32 s1, s0  }
0xbd: {  	s0 =	sadd.s32 $0x8F2B, s0  }
0xbe: {  	[sflag:s0] =	ssyncadd.remote.s32 $0x1  }
0xbf: {  	_ =	sfence.sel $0xFFFF  }
0xc0: {  	[dreg:$0x0] =	wrdreg $0xFFFFFFFF;
	(pc) =	sbr.abs _section_cstart, $3  }
0xc1: {  	[dreg:$0x1] =	wrdreg $0xFFFFFFFF  }
0xc2: {  	_ =	task.clear_ibuf [dreg:s7], $0x2FFFF;
	_ =	strace $0x9FFFFFFF  }
0xc3: {  	(tm) =	ssettm $0x7FFFFFFF  }
tec
execute0_lowered:
.L_overlay_start_1:
0x0: {  	(tag) =	ssettag $0x1  }
0x1: {  	s0 =	rddreg [dreg:$0x0]  }
0x2: {  	s3 =	rddreg [dreg:$0x1]  }
0x3: {  	s1 =	rddreg [dreg:$0x2]  }
0x4: {  	s2 =	simm.s32 $0x0;
	s5 =	srdreg.scid;
	s15 =	stileid.u32  }
0x5: {  	s28 =	simm.s32 $0x100;
	s29 =	simm.s32 $0x2;
	s30 =	simm.s32 $0x4300  }
0x6: {  	s31 =	simm.s32 $0x200;
	[smem:$0x7FF] =	sst s2;
	s4 =	sadd.s32 $0x1C00, s0  }
0x7: {  	s6 =	sand.u32 $0x1, s5;
	s9 =	sadd.s32 $0x28E00, s0;
	s23 =	sshll.u32 s15, $0x1  }
0x8: {  	s8 =	smul.u32 $0x270, s15;
	s10 =	smin.u32 s15, $0x2;
	s18 =	sshll.u32 s15, $0x6  }
0x9: {  	s19 =	sadd.s32 $0x20, s3;
	s22 =	sadd.s32 $0x40, s3;
	p0 =	sgt.u32 s15, $0x1  }
0xa: {  	_ =	strace $0x80000047;
	s7 =	smul.u32 $0x27100, s6;
	s11 =	ssub.s32 $0x2, s6  }
0xb: {  	s12 =	sor.u32 s6, s23;
	s24 =	sshll.u32 s10, $0x3;
	[dreg:$0x9] =	wrdreg s19  }
0xc: {  	s10 =	sor.u32 $0x1C0A, s18;
	s23 =	smul.u32 $0x1380, s15;
	[dreg:$0xc] =	wrdreg s22  }
0xd: {  	s15 =	simm.s32 $0x8;
	s25 =	sshrl.u32 s11, $0x1;
	s8 =	sadd.s32 s8, s24  }
0xe: {  	s26 =	smul.u32 $0x9C0, s12;
	s12 =	sshll.u32 s12, $0x5;
	s0 =	sadd.s32 s7, s0  }
0xf: {  	s11 =	ssub.s32 s11, s25;
	s17 =	sshll.u32 s8, $0x7;
	s13 =	sadd.s32 $0x270, s8  }
0x10: {  	s8 =	sshll.u32 s8, $0x4;
	s21 =	sadd.s32 s12, s3;
	s25 =	smul.u32 $0x9C0, s6  }
0x11: {  	s6 =	simm.s32 $0x5;
	s12 =	simm.s32 $0x280;
	s16 =	sadd.s32 s3, s26  }
0x12: {  	s7 =	sadd.s32 s17, s1;
	s17 =	sadd.s32 s9, s8;
	[dreg:$0x4] =	wrdreg s26  }
0x13: {  	s14 =	sshll.u32 s13, $0x7;
	s13 =	sshll.u32 s13, $0x4;
	[dreg:$0x6] =	wrdreg s17  }
0x14: {  	s20 =	sadd.s32 s26, s19;
	s18 =	sadd.s32 $0x50000, s0;
	[dreg:$0x8] =	wrdreg s13  }
0x15: {  	s24 =	smax.u32 s11, $0x1;
	s5 =	sadd.s32 s26, s22;
	[dreg:$0xb] =	wrdreg s20  }
0x16: {  	s3 =	sadd.s32 s23, s3;
	s0 =	simm.s32 $0x4;
	[dreg:$0xe] =	wrdreg s24  }
0x17: {  	s11 =	simm.s32 $0x7;
	s19 =	simm.s32 $0x9;
	[dreg:$0xf] =	wrdreg s5  }
0x18: {  	s14 =	sadd.s32 s14, s1;
	s9 =	sadd.s32 s9, s13;
	[dreg:$0x5] =	wrdreg s16  }
0x19: {  	s26 =	sadd.s32 $0x60, s16;
	s22 =	sadd.s32 s25, s3;
	s24 =	simm.s32 $0x1  }
0x1a: {  	s25 =	simm.s32 $0x80;
	s3 =	simm.s32 $0x3;
	[dreg:$0x7] =	wrdreg s14  }
0x1b: {  	s17 =	simm.s32 $0x6;
	s13 =	simm.s32 $0x0;
	[dreg:$0xa] =	wrdreg s9  }
0x1c: {  	s9 =	sadd.s32 $0x13800, s21;
	[dreg:$0x10] =	wrdreg s26;
	s26 =	simm.s32 $0x300  }
0x1d: {  	s14 =	simm.s32 $0x180;
	[dreg:$0xd] =	wrdreg s9;
	s9 =	simm.s32 $0x8300  }
.LBB2_1:
0x1e: {  	s5 =	rddreg [dreg:$0x5]  }
0x1f: {  	s20 =	sshrl.u32 s7, $0x3;
	s16 =	rddreg [dreg:$0x6];
	s21 =	simm.s32 $0xA  }
0x20: {  	[tilespmem:s2], [sflag:$0x1] =	stream.linear.gather [hbm4b:s5+s2], $0x100, $0x38;
	[tilespmem:$0x1FB80] =	vst v63  }
0x21: {  	[spmem:s20], [sflag:s10] =	dma.local [hbm:s16], $0x2700  }
0x22: {  	_ =	swait.ge [sflag:s21], $0x2700  }
0x23: {  	[sflag:s21] =	ssyncset.done $0x0  }
0x24: {  	s5 =	rddreg [dreg:$0x7];
	[sflag:s21] =	ssyncadd.s32 $0xFFFFD900  }
0x25: {  	s20 =	sshrl.u32 @!p0 s5, $0x3;
	s5 =	rddreg [dreg:$0xa];
	s21 =	simm.s32 @!p0 $0xA  }
0x26: {  	[spmem:s20], [sflag:s10] =	dma.local @!p0 [hbm:s5], $0x80  }
0x27: {  	_ =	swait.ge @!p0 [sflag:s21], $0x80  }
0x28: {  	[sflag:s21] =	ssyncset.done @!p0 $0x0  }
0x29: {  	[sflag:s21] =	ssyncadd.s32 @!p0 $0xFFFFFF80  }
0x2a: {  	[bflag:$0x0] =	sbarrier.arrive $0xFFFF  }
0x2b: {  	_ =	swait.ge [sflag:s24], $0x100  }
0x2c: {  	[sflag:s24] =	ssyncset.done $0x0  }
0x2d: {  	[sflag:s24] =	ssyncadd.s32 $0xFFFFFF00  }
0x2e: {  	[tilespmem:s26], [sflag:$0x4] =	stream.indirect.gather [hbm4b:s4+s25], $0x80, s2, s25, $0xb8;
	[tilespmem:$0x1FB80] =	vst v63  }
0x2f: {  	s23 =	rddreg [dreg:$0xb]  }
0x30: {  	[tilespmem:s28], [sflag:$0x2] =	stream.linear.gather [hbm4b:s23+s2], $0x100, $0x38;
	[tilespmem:$0x1FB80] =	vst v63  }
0x31: {  	_ =	swait.ge [sflag:s29], $0x100  }
0x32: {  	[sflag:s29] =	ssyncset.done $0x0  }
0x33: {  	[sflag:s29] =	ssyncadd.s32 $0xFFFFFF00  }
0x34: {  	[tilespmem:s30], [sflag:$0x5] =	stream.indirect.gather [hbm4b:s4+s25], $0x80, s28, s25, $0xb8;
	[tilespmem:$0x1FB80] =	vst v63  }
0x35: {  	s16 =	rddreg [dreg:$0xf]  }
0x36: {  	[tilespmem:s31], [sflag:$0x3] =	stream.linear.gather [hbm4b:s16+s2], $0x100, $0x38;
	[tilespmem:$0x1FB80] =	vst v63  }
0x37: {  	_ =	swait.ge [sflag:s0], $0x4000  }
0x38: {  	[sflag:s0] =	ssyncset.done $0x0  }
0x39: {  	[sflag:s0] =	ssyncadd.s32 $0xFFFFC000  }
0x3a: {  	[spmem:s1] =	stream.indirect.scatter.add.f32 [tilespmem:s26], [sflag:$0x7], $0x80, s25, s25, $0xb8;
	[tilespmem:$0x1FB80] =	vst v63  }
0x3b: {  	_ =	swait.ge [sflag:s3], $0x100  }
0x3c: {  	[sflag:s3] =	ssyncset.done $0x0  }
0x3d: {  	[sflag:s3] =	ssyncadd.s32 $0xFFFFFF00  }
0x3e: {  	[tilespmem:s9], [sflag:$0x6] =	stream.indirect.gather [hbm4b:s4+s25], $0x80, s31, s25, $0xb8;
	[tilespmem:$0x1FB80] =	vst v63  }
0x3f: {  	_ =	swait.ge [sflag:s11], $0x4000  }
0x40: {  	[sflag:s11] =	ssyncset.done $0x0  }
0x41: {  	s21 =	rddreg [dreg:$0x10];
	[sflag:s11] =	ssyncadd.s32 $0xFFFFC000  }
0x42: {  	[tilespmem:s2], [sflag:$0x1] =	stream.linear.gather [hbm4b:s21+s2], $0x100, $0x38;
	[tilespmem:$0x1FB80] =	vst v63  }
0x43: {  	_ =	swait.ge [sflag:s6], $0x4000  }
0x44: {  	[sflag:s6] =	ssyncset.done $0x0  }
0x45: {  	[sflag:s6] =	ssyncadd.s32 $0xFFFFC000  }
0x46: {  	[spmem:s1] =	stream.indirect.scatter.add.f32 [tilespmem:s30], [sflag:$0x8], $0x80, s14, s25, $0xb8;
	[tilespmem:$0x1FB80] =	vst v63  }
0x47: {  	_ =	swait.ge [sflag:s24], $0x100  }
0x48: {  	[sflag:s24] =	ssyncset.done $0x0  }
0x49: {  	[sflag:s24] =	ssyncadd.s32 $0xFFFFFF00  }
0x4a: {  	[tilespmem:s26], [sflag:$0x4] =	stream.indirect.gather [hbm4b:s4+s25], $0x80, s2, s25, $0xb8;
	[tilespmem:$0x1FB80] =	vst v63  }
0x4b: {  	_ =	swait.ge [sflag:s15], $0x4000  }
0x4c: {  	s21 =	sadd.s32 $0xFFFFF700, s22;
	[sflag:s15] =	ssyncset.done $0x0  }
0x4d: {  	s23 =	sadd.s32 $0x980, s21;
	[sflag:s15] =	ssyncadd.s32 $0xFFFFC000  }
0x4e: {  	[tilespmem:s28], [sflag:$0x2] =	stream.linear.gather [hbm4b:s23+s2], $0x100, $0x38;
	[tilespmem:$0x1FB80] =	vst v63  }
0x4f: {  	_ =	swait.ge [sflag:s17], $0x4000  }
0x50: {  	[sflag:s17] =	ssyncset.done $0x0  }
0x51: {  	[sflag:s17] =	ssyncadd.s32 $0xFFFFC000  }
0x52: {  	[spmem:s1] =	stream.indirect.scatter.add.f32 [tilespmem:s9], [sflag:$0x9], $0x80, s12, s25, $0xb8;
	[tilespmem:$0x1FB80] =	vst v63  }
0x53: {  	_ =	swait.ge [sflag:s29], $0x100  }
0x54: {  	[sflag:s29] =	ssyncset.done $0x0  }
0x55: {  	[sflag:s29] =	ssyncadd.s32 $0xFFFFFF00  }
0x56: {  	[tilespmem:s30], [sflag:$0x5] =	stream.indirect.gather [hbm4b:s4+s25], $0x80, s28, s25, $0xb8;
	[tilespmem:$0x1FB80] =	vst v63  }
0x57: {  	_ =	swait.ge [sflag:s19], $0x4000  }
0x58: {  	[sflag:s19] =	ssyncset.done $0x0  }
0x59: {  	s16 =	sadd.s32 $0x9A0, s21;
	[sflag:s19] =	ssyncadd.s32 $0xFFFFC000  }
0x5a: {  	[tilespmem:s31], [sflag:$0x3] =	stream.linear.gather [hbm4b:s16+s2], $0x100, $0x38;
	[tilespmem:$0x1FB80] =	vst v63  }
0x5b: {  	_ =	swait.ge [sflag:s0], $0x4000  }
0x5c: {  	[sflag:s0] =	ssyncset.done $0x0  }
0x5d: {  	[sflag:s0] =	ssyncadd.s32 $0xFFFFC000  }
0x5e: {  	[spmem:s1] =	stream.indirect.scatter.add.f32 [tilespmem:s26], [sflag:$0x7], $0x80, s25, s25, $0xb8;
	[tilespmem:$0x1FB80] =	vst v63  }
0x5f: {  	_ =	swait.ge [sflag:s3], $0x100  }
0x60: {  	[sflag:s3] =	ssyncset.done $0x0  }
0x61: {  	[sflag:s3] =	ssyncadd.s32 $0xFFFFFF00  }
0x62: {  	[tilespmem:s9], [sflag:$0x6] =	stream.indirect.gather [hbm4b:s4+s25], $0x80, s31, s25, $0xb8;
	[tilespmem:$0x1FB80] =	vst v63  }
0x63: {  	_ =	swait.ge [sflag:s11], $0x4000  }
0x64: {  	[sflag:s11] =	ssyncset.done $0x0  }
0x65: {  	s23 =	sadd.s32 $0x9C0, s21;
	[sflag:s11] =	ssyncadd.s32 $0xFFFFC000  }
0x66: {  	[tilespmem:s2], [sflag:$0x1] =	stream.linear.gather [hbm4b:s23+s2], $0x100, $0x38;
	[tilespmem:$0x1FB80] =	vst v63  }
0x67: {  	_ =	swait.ge [sflag:s6], $0x4000  }
0x68: {  	[sflag:s6] =	ssyncset.done $0x0  }
0x69: {  	s21 =	simm.s32 $0xFFFFF760;
	[sflag:s6] =	ssyncadd.s32 $0xFFFFC000  }
.LBB2_2:
0x6a: {  	[spmem:s1] =	stream.indirect.scatter.add.f32 [tilespmem:s30], [sflag:$0x8], $0x80, s14, s25, $0xb8;
	[tilespmem:$0x1FB80] =	vst v63  }
0x6b: {  	s5 =	smov.u32 s21  }
0x6c: {  	p1 =	sne.s32 s21, $0xFFFFFFA0;
	s21 =	sadd.s32 $0x60, s21;
	_ =	swait.ge [sflag:s24], $0x100  }
0x6d: {  	[sflag:s24] =	ssyncset.done $0x0  }
0x6e: {  	[sflag:s24] =	ssyncadd.s32 $0xFFFFFF00  }
0x6f: {  	[tilespmem:s26], [sflag:$0x4] =	stream.indirect.gather [hbm4b:s4+s25], $0x80, s2, s25, $0xb8;
	[tilespmem:$0x1FB80] =	vst v63  }
0x70: {  	_ =	swait.ge [sflag:s15], $0x4000  }
0x71: {  	s5 =	sadd.s32 s5, s22;
	[sflag:s15] =	ssyncset.done $0x0  }
0x72: {  	s16 =	sadd.s32 $0x980, s5;
	[sflag:s15] =	ssyncadd.s32 $0xFFFFC000  }
0x73: {  	[tilespmem:s28], [sflag:$0x2] =	stream.linear.gather [hbm4b:s16+s2], $0x100, $0x38;
	[tilespmem:$0x1FB80] =	vst v63  }
0x74: {  	_ =	swait.ge [sflag:s17], $0x4000  }
0x75: {  	[sflag:s17] =	ssyncset.done $0x0  }
0x76: {  	[sflag:s17] =	ssyncadd.s32 $0xFFFFC000  }
0x77: {  	[spmem:s1] =	stream.indirect.scatter.add.f32 [tilespmem:s9], [sflag:$0x9], $0x80, s12, s25, $0xb8;
	[tilespmem:$0x1FB80] =	vst v63  }
0x78: {  	_ =	swait.ge [sflag:s29], $0x100  }
0x79: {  	[sflag:s29] =	ssyncset.done $0x0  }
0x7a: {  	[sflag:s29] =	ssyncadd.s32 $0xFFFFFF00  }
0x7b: {  	[tilespmem:s30], [sflag:$0x5] =	stream.indirect.gather [hbm4b:s4+s25], $0x80, s28, s25, $0xb8;
	[tilespmem:$0x1FB80] =	vst v63  }
0x7c: {  	_ =	swait.ge [sflag:s19], $0x4000  }
0x7d: {  	[sflag:s19] =	ssyncset.done $0x0  }
0x7e: {  	s16 =	sadd.s32 $0x9A0, s5;
	[sflag:s19] =	ssyncadd.s32 $0xFFFFC000  }
0x7f: {  	[tilespmem:s31], [sflag:$0x3] =	stream.linear.gather [hbm4b:s16+s2], $0x100, $0x38;
	[tilespmem:$0x1FB80] =	vst v63  }
0x80: {  	_ =	swait.ge [sflag:s0], $0x4000  }
0x81: {  	[sflag:s0] =	ssyncset.done $0x0  }
0x82: {  	[sflag:s0] =	ssyncadd.s32 $0xFFFFC000  }
0x83: {  	[spmem:s1] =	stream.indirect.scatter.add.f32 [tilespmem:s26], [sflag:$0x7], $0x80, s25, s25, $0xb8;
	[tilespmem:$0x1FB80] =	vst v63  }
0x84: {  	_ =	swait.ge [sflag:s3], $0x100  }
0x85: {  	[sflag:s3] =	ssyncset.done $0x0  }
0x86: {  	[sflag:s3] =	ssyncadd.s32 $0xFFFFFF00  }
0x87: {  	[tilespmem:s9], [sflag:$0x6] =	stream.indirect.gather [hbm4b:s4+s25], $0x80, s31, s25, $0xb8;
	[tilespmem:$0x1FB80] =	vst v63  }
0x88: {  	_ =	swait.ge [sflag:s11], $0x4000  }
0x89: {  	[sflag:s11] =	ssyncset.done $0x0  }
.Ltmp0:
0x8a: {  	s5 =	sadd.s32 $0x9C0, s5;
	[sflag:s11] =	ssyncadd.s32 $0xFFFFC000;
	(pc) =	sbr.rel @p1 .LBB2_2-.Ltmp0, $4  }
0x8b: {  	[tilespmem:s2], [sflag:$0x1] =	stream.linear.gather [hbm4b:s5+s2], $0x100, $0x38;
	[tilespmem:$0x1FB80] =	vst v63  }
0x8c: {  	_ =	swait.ge [sflag:s6], $0x4000  }
0x8d: {  	[sflag:s6] =	ssyncset.done $0x0  }
0x8e: {  	[sflag:s6] =	ssyncadd.s32 $0xFFFFC000  }
0x8f: {  	[spmem:s1] =	stream.indirect.scatter.add.f32 [tilespmem:s30], [sflag:$0x8], $0x80, s14, s25, $0xb8;
	[tilespmem:$0x1FB80] =	vst v63  }
0x90: {  	_ =	swait.ge [sflag:s24], $0x100  }
0x91: {  	[sflag:s24] =	ssyncset.done $0x0  }
0x92: {  	[sflag:s24] =	ssyncadd.s32 $0xFFFFFF00  }
0x93: {  	[tilespmem:s26], [sflag:$0x4] =	stream.indirect.gather [hbm4b:s4+s25], $0x80, s2, s25, $0xb8;
	[tilespmem:$0x1FB80] =	vst v63  }
0x94: {  	_ =	swait.ge [sflag:s15], $0x4000  }
0x95: {  	s5 =	rddreg [dreg:$0x4]  }
0x96: {  	[sflag:s15] =	ssyncset.done $0x0;
	s16 =	rddreg [dreg:$0x9];
	s5 =	sadd.s32 $0x960, s5  }
0x97: {  	[sflag:s15] =	ssyncadd.s32 $0xFFFFC000;
	s16 =	sadd.s32 s5, s16  }
0x98: {  	[tilespmem:s28], [sflag:$0x2] =	stream.linear.gather [hbm4b:s16+s2], $0x100, $0x38;
	[tilespmem:$0x1FB80] =	vst v63  }
0x99: {  	_ =	swait.ge [sflag:s17], $0x4000  }
0x9a: {  	[sflag:s17] =	ssyncset.done $0x0  }
0x9b: {  	[sflag:s17] =	ssyncadd.s32 $0xFFFFC000  }
0x9c: {  	[spmem:s1] =	stream.indirect.scatter.add.f32 [tilespmem:s9], [sflag:$0x9], $0x80, s12, s25, $0xb8;
	[tilespmem:$0x1FB80] =	vst v63  }
0x9d: {  	_ =	swait.ge [sflag:s29], $0x100  }
0x9e: {  	[sflag:s29] =	ssyncset.done $0x0  }
0x9f: {  	[sflag:s29] =	ssyncadd.s32 $0xFFFFFF00  }
0xa0: {  	[tilespmem:s30], [sflag:$0x5] =	stream.indirect.gather [hbm4b:s4+s25], $0x80, s28, s25, $0xb8;
	[tilespmem:$0x1FB80] =	vst v63  }
0xa1: {  	_ =	swait.ge [sflag:s19], $0x4000  }
0xa2: {  	[sflag:s19] =	ssyncset.done $0x0;
	s21 =	rddreg [dreg:$0xc]  }
0xa3: {  	[sflag:s19] =	ssyncadd.s32 $0xFFFFC000;
	s5 =	sadd.s32 s5, s21  }
0xa4: {  	[tilespmem:s31], [sflag:$0x3] =	stream.linear.gather [hbm4b:s5+s2], $0x100, $0x38;
	[tilespmem:$0x1FB80] =	vst v63  }
0xa5: {  	_ =	swait.ge [sflag:s0], $0x4000  }
0xa6: {  	[sflag:s0] =	ssyncset.done $0x0  }
0xa7: {  	[sflag:s0] =	ssyncadd.s32 $0xFFFFC000  }
0xa8: {  	[spmem:s1] =	stream.indirect.scatter.add.f32 [tilespmem:s26], [sflag:$0x7], $0x80, s25, s25, $0xb8;
	[tilespmem:$0x1FB80] =	vst v63  }
0xa9: {  	_ =	swait.ge [sflag:s3], $0x100  }
0xaa: {  	[sflag:s3] =	ssyncset.done $0x0  }
0xab: {  	[sflag:s3] =	ssyncadd.s32 $0xFFFFFF00  }
0xac: {  	[tilespmem:s9], [sflag:$0x6] =	stream.indirect.gather [hbm4b:s4+s25], $0x80, s31, s25, $0xb8;
	[tilespmem:$0x1FB80] =	vst v63  }
0xad: {  	_ =	swait.ge [sflag:s11], $0x4000  }
0xae: {  	[sflag:s11] =	ssyncset.done $0x0  }
0xaf: {  	[sflag:s11] =	ssyncadd.s32 $0xFFFFC000  }
0xb0: {  	_ =	swait.ge [sflag:s6], $0x4000  }
0xb1: {  	[sflag:s6] =	ssyncset.done $0x0  }
0xb2: {  	[sflag:s6] =	ssyncadd.s32 $0xFFFFC000  }
0xb3: {  	[spmem:s1] =	stream.indirect.scatter.add.f32 [tilespmem:s30], [sflag:$0x8], $0x80, s14, s25, $0xb8;
	[tilespmem:$0x1FB80] =	vst v63  }
0xb4: {  	_ =	swait.ge [sflag:s17], $0x4000  }
0xb5: {  	[sflag:s17] =	ssyncset.done $0x0  }
0xb6: {  	[sflag:s17] =	ssyncadd.s32 $0xFFFFC000  }
0xb7: {  	[spmem:s1] =	stream.indirect.scatter.add.f32 [tilespmem:s9], [sflag:$0x9], $0x80, s12, s25, $0xb8;
	[tilespmem:$0x1FB80] =	vst v63  }
0xb8: {  	_ =	swait.ge [sflag:s15], $0x4000  }
0xb9: {  	[sflag:s15] =	ssyncset.done $0x0  }
0xba: {  	[sflag:s15] =	ssyncadd.s32 $0xFFFFC000  }
0xbb: {  	_ =	swait.ge [sflag:s19], $0x4000  }
0xbc: {  	[sflag:s19] =	ssyncset.done $0x0  }
0xbd: {  	[sflag:s19] =	ssyncadd.s32 $0xFFFFC000  }
0xbe: {  	s16 =	sshrl.u32 @p0 s7, $0x3;
	s5 =	sadd.s32 @p0 s8, s18;
	[bflag:$0x0] =	sbarrier.arrive @p0 $0xFFFF  }
0xbf: {  	[hbm:s5], [sflag:s10] =	dma.local @p0 [spmem:s16], $0x2700  }
0xc0: {  	s5 =	simm.s32 @p0 $0xA  }
0xc1: {  	_ =	swait.ge @p0 [sflag:s5], $0x2700  }
0xc2: {  	[sflag:s5] =	ssyncset.done @p0 $0x0  }
0xc3: {  	s16 =	rddreg [dreg:$0xd];
	[sflag:s5] =	ssyncadd.s32 @p0 $0xFFFFD900;
	s5 =	simm.s32 @!p0 $0x0  }
0xc4: {  	[tilespmem:s5], [sflag:$0xA] =	stream.linear.gather @!p0 [hbm4b:s16+s5], $0x100, $0x38;
	[tilespmem:$0x1FB80] =	vst v63  }
0xc5: {  	s16 =	simm.s32 @!p0 $0xA  }
0xc6: {  	_ =	swait.ge @!p0 [sflag:s16], $0x100  }
0xc7: {  	[sflag:s16] =	ssyncset.done @!p0 $0x0  }
0xc8: {  	s23 =	simm.s32 @!p0 $0x300;
	s21 =	simm.s32 @!p0 $0x80;
	[sflag:s16] =	ssyncadd.s32 @!p0 $0xFFFFFF00  }
0xc9: {  	[tilespmem:s23], [sflag:$0x4] =	stream.indirect.gather @!p0 [hbm4b:s4+s21], $0x80, s5, s21, $0xb8;
	[tilespmem:$0x1FB80] =	vst v63  }
0xca: {  	s5 =	simm.s32 @!p0 $0x4  }
0xcb: {  	_ =	swait.ge @!p0 [sflag:s5], $0x4000  }
0xcc: {  	[sflag:s5] =	ssyncset.done @!p0 $0x0  }
0xcd: {  	[sflag:s5] =	ssyncadd.s32 @!p0 $0xFFFFC000  }
0xce: {  	[spmem:s1] =	stream.indirect.scatter.add.f32 @!p0 [tilespmem:s23], [sflag:$0xA], $0x80, s21, s21, $0xb8;
	[tilespmem:$0x1FB80] =	vst v63  }
0xcf: {  	_ =	swait.ge @!p0 [sflag:s16], $0x4000  }
0xd0: {  	[sflag:s16] =	ssyncset.done @!p0 $0x0  }
0xd1: {  	[sflag:s16] =	ssyncadd.s32 @!p0 $0xFFFFC000  }
0xd2: {  	s5 =	sadd.s32 @!p0 s8, s18;
	s21 =	sshrl.u32 @!p0 s7, $0x3;
	[bflag:$0x0] =	sbarrier.arrive @!p0 $0xFFFF  }
0xd3: {  	[hbm:s5], [sflag:s10] =	dma.local @!p0 [spmem:s21], $0x2700  }
0xd4: {  	_ =	swait.ge @!p0 [sflag:s16], $0x2700  }
0xd5: {  	[sflag:s16] =	ssyncset.done @!p0 $0x0;
	s5 =	rddreg [dreg:$0x8]  }
0xd6: {  	[sflag:s16] =	ssyncadd.s32 @!p0 $0xFFFFD900;
	s5 =	sadd.s32 @!p0 s5, s18  }
0xd7: {  	[hbm:s5], [sflag:s10] =	dma.local @!p0 [spmem:s20], $0x80  }
0xd8: {  	_ =	swait.ge @!p0 [sflag:s16], $0x80  }
0xd9: {  	s13 =	sadd.s32 $0x1, s13;
	s23 =	rddreg [dreg:$0xe]  }
0xda: {  	p1 =	sne.s32 s13, s23  }
.Ltmp1:
0xdb: {  	_ = 	snop;
	(pc) =	sbr.rel @p1 .LBB2_1-.Ltmp1, $3  }
0xdc: {  	_ =	sdelay $0x1  }
0xdd: {  	[sflag:s16] =	ssyncset.done @!p0 $0x0  }
0xde: {  	[sflag:s16] =	ssyncadd.s32 @!p0 $0xFFFFFF80  }
0xdf: {  	_ =	sfence.sel $0x180000  }
0xe0: {  	[bflag:$0x0] =	sbarrier.arrive $0xFFFF  }
0xe1: {  	_ =	strace $0x90000047  }
0xe2: {  	s0 =	stileid.u32;
	[bflag:$0x2] =	sbarrier.arrive $0xFFFF  }
0xe3: {  	p0 =	sne.s32 s0, $0x0;
	s0 =	rddreg [dreg:$0x3]  }
0xe4: {  	s0 =	sadd.s32 @!p0 $0x100000, s0  }
0xe5: {  	[sflag:s0] =	ssyncadd.tile.s32 @!p0 $0x1;
	_ =	shalt  }
.Lfunc_end2:
_tile_overlayer_lowered:
.L_overlay_start_2:
0xe6: {  	(tag) =	ssettag $0x2  }
0xe7: {  	s0 =	rddreg [dreg:$0x0];
	s2 =	stileid.u32  }
0xe8: {  	s1 =	rddreg [dreg:$0x1];
	p0 =	sne.s32 s2, $0x0  }
0xe9: {  	s3 =	rddreg [dreg:$0x2];
	[bflag:$0x3] =	sbarrier.arrive $0xFFFF;
	s2 =	simm.s32 @!p0 $0x1C0A  }
0xea: {  	[timem:s3], [sflag:s2] =	dma.local @!p0 [hbm:s0], s1  }
0xeb: {  	s0 =	simm.s32 @!p0 $0xA  }
0xec: {  	_ =	swait.ge @!p0 [sflag:s0], s1  }
0xed: {  	s1 =	ssub.s32 @!p0 $0x0, s1;
	[sflag:s0] =	ssyncset.done @!p0 $0x0  }
0xee: {  	[sflag:s0] =	ssyncadd.s32 @!p0 s1  }
0xef: {  	[bflag:$0x3] =	sbarrier.arrive $0xFFFF  }
0xf0: {  	_ =	shalt  }

</sc_bundles>
